<compile_context>
chip_gen: v7x
topology: tpu7x:2x2x1
jax: 0.10.2.dev20260603
libtpu: 0.0.44.dev20260713+nightly
codegen_flags: <defaults>
</compile_context>

<pallas_src>
import functools

import jax
import jax.numpy as jnp
from jax import lax
from jax.experimental import pallas as pl
from jax.experimental.pallas import tpu as pltpu
from jax.experimental.pallas import tpu_sc as plsc

EMBED_DIM = 32
LANES = 16
NROWS = 1000000
CHUNK = 32768


def _matvec_body(ut_ref, mt_ref, w_ref, p_ref, q_ref):
    p = jnp.full((ut_ref.shape[1],), w_ref[2 * EMBED_DIM], jnp.float32)
    q = jnp.zeros((ut_ref.shape[1],), jnp.float32)
    for d in range(EMBED_DIM):
        p = p + ut_ref[d] * w_ref[d]
        q = q + mt_ref[d] * w_ref[EMBED_DIM + d]
    p_ref[...] = p
    q_ref[...] = q


def _combine(user_id, movie_id, p, q):
    B = user_id.shape[0]
    info = plsc.get_sparse_core_info()
    nw = info.num_cores * info.num_subcores
    bw = B // nw

    mesh = plsc.VectorSubcoreMesh(core_axis_name="c", subcore_axis_name="s")

    @functools.partial(
        pl.kernel,
        mesh=mesh,
        compiler_params=pltpu.CompilerParams(
            needs_layout_passes=False, use_tc_tiling_on_sc=False),
        out_type=jax.ShapeDtypeStruct((B,), jnp.float32),
        scratch_types=[
            pltpu.VMEM((bw,), jnp.int32),
            pltpu.VMEM((bw,), jnp.int32),
            pltpu.VMEM((bw,), jnp.float32),
            pltpu.VMEM((bw,), jnp.float32),
            pltpu.VMEM((bw,), jnp.float32),
            pltpu.SemaphoreType.DMA,
            pltpu.SemaphoreType.DMA,
        ],
    )
    def sc_kernel(uid_hbm, mid_hbm, p_hbm, q_hbm, out_hbm,
                  uidx_v, midx_v, pv, qv, out_v, sem_p, sem_q):
        wid = lax.axis_index("s") * info.num_cores + lax.axis_index("c")
        base = wid * bw
        pltpu.sync_copy(uid_hbm.at[pl.ds(base, bw)], uidx_v)
        pltpu.sync_copy(mid_hbm.at[pl.ds(base, bw)], midx_v)
        cp = pltpu.async_copy(p_hbm.at[uidx_v], pv, sem_p)
        cq = pltpu.async_copy(q_hbm.at[midx_v], qv, sem_q)
        cp.wait()
        cq.wait()
        for g in range(bw // LANES):
            sl = pl.ds(g * LANES, LANES)
            out_v[sl] = pv[sl] + qv[sl]
        pltpu.sync_copy(out_v, out_hbm.at[pl.ds(base, bw)])

    return sc_kernel(user_id, movie_id, p, q)


def kernel(user_id, movie_id, user_table, movie_table, W, b):
    B = user_id.shape[0]
    utT = user_table.T
    mtT = movie_table.T
    wb = jnp.zeros((80,), jnp.float32).at[:2 * EMBED_DIM].set(W[:, 0]).at[2 * EMBED_DIM].set(b[0])

    grid = (NROWS + CHUNK - 1) // CHUNK
    p, q = pl.pallas_call(
        _matvec_body,
        grid=(grid,),
        in_specs=[
            pl.BlockSpec((EMBED_DIM, CHUNK), lambda g: (0, g)),
            pl.BlockSpec((EMBED_DIM, CHUNK), lambda g: (0, g)),
            pl.BlockSpec(memory_space=pltpu.SMEM),
        ],
        out_specs=[
            pl.BlockSpec((CHUNK,), lambda g: (g,)),
            pl.BlockSpec((CHUNK,), lambda g: (g,)),
        ],
        out_shape=[
            jax.ShapeDtypeStruct((NROWS,), jnp.float32),
            jax.ShapeDtypeStruct((NROWS,), jnp.float32),
        ],
        compiler_params=pltpu.CompilerParams(
            dimension_semantics=("arbitrary",)),
    )(utT, mtT, wb)

    out = _combine(user_id, movie_id, p, q)
    return out.reshape(B, 1)

# --- scband reference (transcript-rebuilt; emitter-appended) ---
"""Pipeline reference for scband-rating-predictor-85512798863463 (READ-ONLY COPY).

The authoritative reference and input builder live on the scoring server;
editing this copy changes nothing except your own understanding.
"""

import jax, jax.numpy as jnp
import numpy as np

NUM_USERS = 1000000
NUM_MOVIES = 1000000
EMBED_DIM = 32
BATCH = 16384

def setup_inputs(seed: int = 0) -> dict:
    key = jax.random.key(seed)
    k1, k2, k3, k4, k5, k6 = jax.random.split(key, 6)
    user_id = jax.random.randint(k1, (BATCH,), 0, NUM_USERS, dtype=jnp.int64 if jax.config.jax_enable_x64 else jnp.int32)
    movie_id = jax.random.randint(k2, (BATCH,), 0, NUM_MOVIES, dtype=jnp.int64 if jax.config.jax_enable_x64 else jnp.int32)
    user_table = jax.random.normal(k3, (NUM_USERS, EMBED_DIM), dtype=jnp.float32)
    movie_table = jax.random.normal(k4, (NUM_MOVIES, EMBED_DIM), dtype=jnp.float32)
    W = jax.random.normal(k5, (2 * EMBED_DIM, 1), dtype=jnp.float32) * (1.0 / np.sqrt(2 * EMBED_DIM))
    b = jax.random.normal(k6, (1,), dtype=jnp.float32) * 0.01
    return {"user_id": user_id, "movie_id": movie_id, "user_table": user_table, "movie_table": movie_table, "W": W, "b": b}

def reference(user_id, movie_id, user_table, movie_table, W, b):
    # user_emb = self.user_embedding(user_id)
    user_emb = jnp.take(user_table, user_id, axis=0)  # [B, D]
    # movie_emb = self.movie_embedding(movie_id)
    movie_emb = jnp.take(movie_table, movie_id, axis=0)  # [B, D]
    # x = torch.cat([user_emb, movie_emb], dim=1)
    x = jnp.concatenate([user_emb, movie_emb], axis=1)  # [B, 2D]
    # return self.fc(x)
    return x @ W + b  # [B, 1]

if __name__ == "__main__":
    import jax
    _d = setup_inputs()
    print(jax.jit(kernel)(*tuple(_d.values())))

</pallas_src>

<mosaic_0001>
#map = affine_map<(d0, d1) -> (0)>
module attributes {stable_mosaic.version = 14 : i64} {
  func.func @sc_kernel(%arg0: i32, %arg1: i32, %arg2: memref<16384xi32, #tpu.memory_space<hbm>>, %arg3: memref<16384xi32, #tpu.memory_space<hbm>>, %arg4: memref<1000000xf32, #tpu.memory_space<hbm>>, %arg5: memref<1000000xf32, #tpu.memory_space<hbm>>, %arg6: memref<16384xf32, #tpu.memory_space<hbm>>, %arg7: memref<512xi32, #tpu.memory_space<vmem>>, %arg8: memref<512xi32, #tpu.memory_space<vmem>>, %arg9: memref<512xf32, #tpu.memory_space<vmem>>, %arg10: memref<512xf32, #tpu.memory_space<vmem>>, %arg11: memref<512xf32, #tpu.memory_space<vmem>>, %arg12: memref<!tpu.dma_semaphore, #tpu.memory_space<semaphore_mem>>, %arg13: memref<!tpu.dma_semaphore, #tpu.memory_space<semaphore_mem>>) attributes {dimension_semantics = [#tpu.dimension_semantics<core_parallel>, #tpu.dimension_semantics<subcore_parallel>], iteration_bounds = array<i64: 2, 16>, scalar_prefetch = 0 : i64, scratch_operands = 7 : i64, tpu.core_type = #tpu.core_type<sc_vector_subcore>, window_params = [{transform_indices = #map}, {transform_indices = #map}, {transform_indices = #map}, {transform_indices = #map}, {transform_indices = #map}]} {
    %mul3A = arith.constant 2 : i32
    %mul3A_0 = arith.muli %arg1, %mul3A : i32
    %add3A = arith.addi %mul3A_0, %arg0 : i32
    %mul3A_1 = arith.constant 512 : i32
    %mul3A_2 = arith.muli %add3A, %mul3A_1 : i32
    "tpu.region"() ({
      %run_scoped3A = tpu.sem_alloc : memref<!tpu.dma_semaphore, #tpu.memory_space<semaphore_mem>>
      %dma_start3A_231 = tpu.memref_slice %arg2[%mul3A_2] : memref<16384xi32, #tpu.memory_space<hbm>> -> memref<512xi32, #tpu.memory_space<hbm>>
      %dma_start3A_232 = tpu.memref_slice %arg2[%mul3A_2] : memref<16384xi32, #tpu.memory_space<hbm>> -> memref<512xi32, #tpu.memory_space<hbm>>
      tpu.enqueue_dma source(%dma_start3A_232 : memref<512xi32, #tpu.memory_space<hbm>>) target(%arg7 : memref<512xi32, #tpu.memory_space<vmem>>) target_semaphore(%run_scoped3A : memref<!tpu.dma_semaphore, #tpu.memory_space<semaphore_mem>>)
      %dma_wait3A_233 = tpu.memref_slice %arg2[%mul3A_2] : memref<16384xi32, #tpu.memory_space<hbm>> -> memref<512xi32, #tpu.memory_space<hbm>>
      %dma_wait3A_234 = tpu.memref_slice %arg2[%mul3A_2] : memref<16384xi32, #tpu.memory_space<hbm>> -> memref<512xi32, #tpu.memory_space<hbm>>
      tpu.wait_dma2 semaphore(%run_scoped3A : memref<!tpu.dma_semaphore, #tpu.memory_space<semaphore_mem>>) src(%dma_wait3A_234 : memref<512xi32, #tpu.memory_space<hbm>>) dst(%arg7 : memref<512xi32, #tpu.memory_space<vmem>>)
      tpu.yield
    }) : () -> ()
    "tpu.region"() ({
      %run_scoped3A = tpu.sem_alloc : memref<!tpu.dma_semaphore, #tpu.memory_space<semaphore_mem>>
      %dma_start3A_231 = tpu.memref_slice %arg3[%mul3A_2] : memref<16384xi32, #tpu.memory_space<hbm>> -> memref<512xi32, #tpu.memory_space<hbm>>
      %dma_start3A_232 = tpu.memref_slice %arg3[%mul3A_2] : memref<16384xi32, #tpu.memory_space<hbm>> -> memref<512xi32, #tpu.memory_space<hbm>>
      tpu.enqueue_dma source(%dma_start3A_232 : memref<512xi32, #tpu.memory_space<hbm>>) target(%arg8 : memref<512xi32, #tpu.memory_space<vmem>>) target_semaphore(%run_scoped3A : memref<!tpu.dma_semaphore, #tpu.memory_space<semaphore_mem>>)
      %dma_wait3A_233 = tpu.memref_slice %arg3[%mul3A_2] : memref<16384xi32, #tpu.memory_space<hbm>> -> memref<512xi32, #tpu.memory_space<hbm>>
      %dma_wait3A_234 = tpu.memref_slice %arg3[%mul3A_2] : memref<16384xi32, #tpu.memory_space<hbm>> -> memref<512xi32, #tpu.memory_space<hbm>>
      tpu.wait_dma2 semaphore(%run_scoped3A : memref<!tpu.dma_semaphore, #tpu.memory_space<semaphore_mem>>) src(%dma_wait3A_234 : memref<512xi32, #tpu.memory_space<hbm>>) dst(%arg8 : memref<512xi32, #tpu.memory_space<vmem>>)
      tpu.yield
    }) : () -> ()
    %dma_start3A = arith.constant 0 : i32
    %dma_start3A_3 = tpu.memref_slice %arg4[%dma_start3A] : memref<1000000xf32, #tpu.memory_space<hbm>> -> memref<1000000xf32, #tpu.memory_space<hbm>>
    tpu.enqueue_indirect_dma source(%dma_start3A_3 : memref<1000000xf32, #tpu.memory_space<hbm>>) target(%arg9 : memref<512xf32, #tpu.memory_space<vmem>>) offsets(%arg7 : memref<512xi32, #tpu.memory_space<vmem>>) semaphore(%arg12 : memref<!tpu.dma_semaphore, #tpu.memory_space<semaphore_mem>>)
    %dma_start3A_4 = arith.constant 0 : i32
    %dma_start3A_5 = tpu.memref_slice %arg5[%dma_start3A_4] : memref<1000000xf32, #tpu.memory_space<hbm>> -> memref<1000000xf32, #tpu.memory_space<hbm>>
    tpu.enqueue_indirect_dma source(%dma_start3A_5 : memref<1000000xf32, #tpu.memory_space<hbm>>) target(%arg10 : memref<512xf32, #tpu.memory_space<vmem>>) offsets(%arg8 : memref<512xi32, #tpu.memory_space<vmem>>) semaphore(%arg13 : memref<!tpu.dma_semaphore, #tpu.memory_space<semaphore_mem>>)
    %dma_wait3A = arith.constant 0 : i32
    %dma_wait3A_6 = tpu.memref_slice %arg4[%dma_wait3A] : memref<1000000xf32, #tpu.memory_space<hbm>> -> memref<1000000xf32, #tpu.memory_space<hbm>>
    tpu.wait_indirect_dma semaphore(%arg12 : memref<!tpu.dma_semaphore, #tpu.memory_space<semaphore_mem>>) src(%dma_wait3A_6 : memref<1000000xf32, #tpu.memory_space<hbm>>) dst(%arg9 : memref<512xf32, #tpu.memory_space<vmem>>)
    %dma_wait3A_7 = arith.constant 0 : i32
    %dma_wait3A_8 = tpu.memref_slice %arg5[%dma_wait3A_7] : memref<1000000xf32, #tpu.memory_space<hbm>> -> memref<1000000xf32, #tpu.memory_space<hbm>>
    tpu.wait_indirect_dma semaphore(%arg13 : memref<!tpu.dma_semaphore, #tpu.memory_space<semaphore_mem>>) src(%dma_wait3A_8 : memref<1000000xf32, #tpu.memory_space<hbm>>) dst(%arg10 : memref<512xf32, #tpu.memory_space<vmem>>)
    %get3A = arith.constant 0 : index
    %get3A_9 = tpu.vector_load %arg9[%get3A] {strides = array<i32>} : memref<512xf32, #tpu.memory_space<vmem>>, vector<16xf32>,
    %get3A_10 = arith.constant 0 : index
    %get3A_11 = tpu.vector_load %arg10[%get3A_10] {strides = array<i32>} : memref<512xf32, #tpu.memory_space<vmem>>, vector<16xf32>,
    %add3A_12 = arith.addf %get3A_9, %get3A_11 : vector<16xf32>
    %swap3A = arith.constant 0 : index
    %swap3A_13 = tpu.vector_load %arg11[%swap3A] {strides = array<i32>} : memref<512xf32, #tpu.memory_space<vmem>>, vector<16xf32>,
    tpu.vector_store %arg11[%swap3A], %add3A_12 {strides = array<i32>} : memref<512xf32, #tpu.memory_space<vmem>>, vector<16xf32>,
    %get3A_14 = arith.constant 16 : index
    %get3A_15 = tpu.vector_load %arg9[%get3A_14] {strides = array<i32>} : memref<512xf32, #tpu.memory_space<vmem>>, vector<16xf32>,
    %get3A_16 = arith.constant 16 : index
    %get3A_17 = tpu.vector_load %arg10[%get3A_16] {strides = array<i32>} : memref<512xf32, #tpu.memory_space<vmem>>, vector<16xf32>,
    %add3A_18 = arith.addf %get3A_15, %get3A_17 : vector<16xf32>
    %swap3A_19 = arith.constant 16 : index
    %swap3A_20 = tpu.vector_load %arg11[%swap3A_19] {strides = array<i32>} : memref<512xf32, #tpu.memory_space<vmem>>, vector<16xf32>,
    tpu.vector_store %arg11[%swap3A_19], %add3A_18 {strides = array<i32>} : memref<512xf32, #tpu.memory_space<vmem>>, vector<16xf32>,
    %get3A_21 = arith.constant 32 : index
    %get3A_22 = tpu.vector_load %arg9[%get3A_21] {strides = array<i32>} : memref<512xf32, #tpu.memory_space<vmem>>, vector<16xf32>,
    %get3A_23 = arith.constant 32 : index
    %get3A_24 = tpu.vector_load %arg10[%get3A_23] {strides = array<i32>} : memref<512xf32, #tpu.memory_space<vmem>>, vector<16xf32>,
    %add3A_25 = arith.addf %get3A_22, %get3A_24 : vector<16xf32>
    %swap3A_26 = arith.constant 32 : index
    %swap3A_27 = tpu.vector_load %arg11[%swap3A_26] {strides = array<i32>} : memref<512xf32, #tpu.memory_space<vmem>>, vector<16xf32>,
    tpu.vector_store %arg11[%swap3A_26], %add3A_25 {strides = array<i32>} : memref<512xf32, #tpu.memory_space<vmem>>, vector<16xf32>,
    %get3A_28 = arith.constant 48 : index
    %get3A_29 = tpu.vector_load %arg9[%get3A_28] {strides = array<i32>} : memref<512xf32, #tpu.memory_space<vmem>>, vector<16xf32>,
    %get3A_30 = arith.constant 48 : index
    %get3A_31 = tpu.vector_load %arg10[%get3A_30] {strides = array<i32>} : memref<512xf32, #tpu.memory_space<vmem>>, vector<16xf32>,
    %add3A_32 = arith.addf %get3A_29, %get3A_31 : vector<16xf32>
    %swap3A_33 = arith.constant 48 : index
    %swap3A_34 = tpu.vector_load %arg11[%swap3A_33] {strides = array<i32>} : memref<512xf32, #tpu.memory_space<vmem>>, vector<16xf32>,
    tpu.vector_store %arg11[%swap3A_33], %add3A_32 {strides = array<i32>} : memref<512xf32, #tpu.memory_space<vmem>>, vector<16xf32>,
    %get3A_35 = arith.constant 64 : index
    %get3A_36 = tpu.vector_load %arg9[%get3A_35] {strides = array<i32>} : memref<512xf32, #tpu.memory_space<vmem>>, vector<16xf32>,
    %get3A_37 = arith.constant 64 : index
    %get3A_38 = tpu.vector_load %arg10[%get3A_37] {strides = array<i32>} : memref<512xf32, #tpu.memory_space<vmem>>, vector<16xf32>,
    %add3A_39 = arith.addf %get3A_36, %get3A_38 : vector<16xf32>
    %swap3A_40 = arith.constant 64 : index
    %swap3A_41 = tpu.vector_load %arg11[%swap3A_40] {strides = array<i32>} : memref<512xf32, #tpu.memory_space<vmem>>, vector<16xf32>,
    tpu.vector_store %arg11[%swap3A_40], %add3A_39 {strides = array<i32>} : memref<512xf32, #tpu.memory_space<vmem>>, vector<16xf32>,
    %get3A_42 = arith.constant 80 : index
    %get3A_43 = tpu.vector_load %arg9[%get3A_42] {strides = array<i32>} : memref<512xf32, #tpu.memory_space<vmem>>, vector<16xf32>,
    %get3A_44 = arith.constant 80 : index
    %get3A_45 = tpu.vector_load %arg10[%get3A_44] {strides = array<i32>} : memref<512xf32, #tpu.memory_space<vmem>>, vector<16xf32>,
    %add3A_46 = arith.addf %get3A_43, %get3A_45 : vector<16xf32>
    %swap3A_47 = arith.constant 80 : index
    %swap3A_48 = tpu.vector_load %arg11[%swap3A_47] {strides = array<i32>} : memref<512xf32, #tpu.memory_space<vmem>>, vector<16xf32>,
    tpu.vector_store %arg11[%swap3A_47], %add3A_46 {strides = array<i32>} : memref<512xf32, #tpu.memory_space<vmem>>, vector<16xf32>,
    %get3A_49 = arith.constant 96 : index
    %get3A_50 = tpu.vector_load %arg9[%get3A_49] {strides = array<i32>} : memref<512xf32, #tpu.memory_space<vmem>>, vector<16xf32>,
    %get3A_51 = arith.constant 96 : index
    %get3A_52 = tpu.vector_load %arg10[%get3A_51] {strides = array<i32>} : memref<512xf32, #tpu.memory_space<vmem>>, vector<16xf32>,
    %add3A_53 = arith.addf %get3A_50, %get3A_52 : vector<16xf32>
    %swap3A_54 = arith.constant 96 : index
    %swap3A_55 = tpu.vector_load %arg11[%swap3A_54] {strides = array<i32>} : memref<512xf32, #tpu.memory_space<vmem>>, vector<16xf32>,
    tpu.vector_store %arg11[%swap3A_54], %add3A_53 {strides = array<i32>} : memref<512xf32, #tpu.memory_space<vmem>>, vector<16xf32>,
    %get3A_56 = arith.constant 112 : index
    %get3A_57 = tpu.vector_load %arg9[%get3A_56] {strides = array<i32>} : memref<512xf32, #tpu.memory_space<vmem>>, vector<16xf32>,
    %get3A_58 = arith.constant 112 : index
    %get3A_59 = tpu.vector_load %arg10[%get3A_58] {strides = array<i32>} : memref<512xf32, #tpu.memory_space<vmem>>, vector<16xf32>,
    %add3A_60 = arith.addf %get3A_57, %get3A_59 : vector<16xf32>
    %swap3A_61 = arith.constant 112 : index
    %swap3A_62 = tpu.vector_load %arg11[%swap3A_61] {strides = array<i32>} : memref<512xf32, #tpu.memory_space<vmem>>, vector<16xf32>,
    tpu.vector_store %arg11[%swap3A_61], %add3A_60 {strides = array<i32>} : memref<512xf32, #tpu.memory_space<vmem>>, vector<16xf32>,
    %get3A_63 = arith.constant 128 : index
    %get3A_64 = tpu.vector_load %arg9[%get3A_63] {strides = array<i32>} : memref<512xf32, #tpu.memory_space<vmem>>, vector<16xf32>,
    %get3A_65 = arith.constant 128 : index
    %get3A_66 = tpu.vector_load %arg10[%get3A_65] {strides = array<i32>} : memref<512xf32, #tpu.memory_space<vmem>>, vector<16xf32>,
    %add3A_67 = arith.addf %get3A_64, %get3A_66 : vector<16xf32>
    %swap3A_68 = arith.constant 128 : index
    %swap3A_69 = tpu.vector_load %arg11[%swap3A_68] {strides = array<i32>} : memref<512xf32, #tpu.memory_space<vmem>>, vector<16xf32>,
    tpu.vector_store %arg11[%swap3A_68], %add3A_67 {strides = array<i32>} : memref<512xf32, #tpu.memory_space<vmem>>, vector<16xf32>,
    %get3A_70 = arith.constant 144 : index
    %get3A_71 = tpu.vector_load %arg9[%get3A_70] {strides = array<i32>} : memref<512xf32, #tpu.memory_space<vmem>>, vector<16xf32>,
    %get3A_72 = arith.constant 144 : index
    %get3A_73 = tpu.vector_load %arg10[%get3A_72] {strides = array<i32>} : memref<512xf32, #tpu.memory_space<vmem>>, vector<16xf32>,
    %add3A_74 = arith.addf %get3A_71, %get3A_73 : vector<16xf32>
    %swap3A_75 = arith.constant 144 : index
    %swap3A_76 = tpu.vector_load %arg11[%swap3A_75] {strides = array<i32>} : memref<512xf32, #tpu.memory_space<vmem>>, vector<16xf32>,
    tpu.vector_store %arg11[%swap3A_75], %add3A_74 {strides = array<i32>} : memref<512xf32, #tpu.memory_space<vmem>>, vector<16xf32>,
    %get3A_77 = arith.constant 160 : index
    %get3A_78 = tpu.vector_load %arg9[%get3A_77] {strides = array<i32>} : memref<512xf32, #tpu.memory_space<vmem>>, vector<16xf32>,
    %get3A_79 = arith.constant 160 : index
    %get3A_80 = tpu.vector_load %arg10[%get3A_79] {strides = array<i32>} : memref<512xf32, #tpu.memory_space<vmem>>, vector<16xf32>,
    %add3A_81 = arith.addf %get3A_78, %get3A_80 : vector<16xf32>
    %swap3A_82 = arith.constant 160 : index
    %swap3A_83 = tpu.vector_load %arg11[%swap3A_82] {strides = array<i32>} : memref<512xf32, #tpu.memory_space<vmem>>, vector<16xf32>,
    tpu.vector_store %arg11[%swap3A_82], %add3A_81 {strides = array<i32>} : memref<512xf32, #tpu.memory_space<vmem>>, vector<16xf32>,
    %get3A_84 = arith.constant 176 : index
    %get3A_85 = tpu.vector_load %arg9[%get3A_84] {strides = array<i32>} : memref<512xf32, #tpu.memory_space<vmem>>, vector<16xf32>,
    %get3A_86 = arith.constant 176 : index
    %get3A_87 = tpu.vector_load %arg10[%get3A_86] {strides = array<i32>} : memref<512xf32, #tpu.memory_space<vmem>>, vector<16xf32>,
    %add3A_88 = arith.addf %get3A_85, %get3A_87 : vector<16xf32>
    %swap3A_89 = arith.constant 176 : index
    %swap3A_90 = tpu.vector_load %arg11[%swap3A_89] {strides = array<i32>} : memref<512xf32, #tpu.memory_space<vmem>>, vector<16xf32>,
    tpu.vector_store %arg11[%swap3A_89], %add3A_88 {strides = array<i32>} : memref<512xf32, #tpu.memory_space<vmem>>, vector<16xf32>,
    %get3A_91 = arith.constant 192 : index
    %get3A_92 = tpu.vector_load %arg9[%get3A_91] {strides = array<i32>} : memref<512xf32, #tpu.memory_space<vmem>>, vector<16xf32>,
    %get3A_93 = arith.constant 192 : index
    %get3A_94 = tpu.vector_load %arg10[%get3A_93] {strides = array<i32>} : memref<512xf32, #tpu.memory_space<vmem>>, vector<16xf32>,
    %add3A_95 = arith.addf %get3A_92, %get3A_94 : vector<16xf32>
    %swap3A_96 = arith.constant 192 : index
    %swap3A_97 = tpu.vector_load %arg11[%swap3A_96] {strides = array<i32>} : memref<512xf32, #tpu.memory_space<vmem>>, vector<16xf32>,
    tpu.vector_store %arg11[%swap3A_96], %add3A_95 {strides = array<i32>} : memref<512xf32, #tpu.memory_space<vmem>>, vector<16xf32>,
    %get3A_98 = arith.constant 208 : index
    %get3A_99 = tpu.vector_load %arg9[%get3A_98] {strides = array<i32>} : memref<512xf32, #tpu.memory_space<vmem>>, vector<16xf32>,
    %get3A_100 = arith.constant 208 : index
    %get3A_101 = tpu.vector_load %arg10[%get3A_100] {strides = array<i32>} : memref<512xf32, #tpu.memory_space<vmem>>, vector<16xf32>,
    %add3A_102 = arith.addf %get3A_99, %get3A_101 : vector<16xf32>
    %swap3A_103 = arith.constant 208 : index
    %swap3A_104 = tpu.vector_load %arg11[%swap3A_103] {strides = array<i32>} : memref<512xf32, #tpu.memory_space<vmem>>, vector<16xf32>,
    tpu.vector_store %arg11[%swap3A_103], %add3A_102 {strides = array<i32>} : memref<512xf32, #tpu.memory_space<vmem>>, vector<16xf32>,
    %get3A_105 = arith.constant 224 : index
    %get3A_106 = tpu.vector_load %arg9[%get3A_105] {strides = array<i32>} : memref<512xf32, #tpu.memory_space<vmem>>, vector<16xf32>,
    %get3A_107 = arith.constant 224 : index
    %get3A_108 = tpu.vector_load %arg10[%get3A_107] {strides = array<i32>} : memref<512xf32, #tpu.memory_space<vmem>>, vector<16xf32>,
    %add3A_109 = arith.addf %get3A_106, %get3A_108 : vector<16xf32>
    %swap3A_110 = arith.constant 224 : index
    %swap3A_111 = tpu.vector_load %arg11[%swap3A_110] {strides = array<i32>} : memref<512xf32, #tpu.memory_space<vmem>>, vector<16xf32>,
    tpu.vector_store %arg11[%swap3A_110], %add3A_109 {strides = array<i32>} : memref<512xf32, #tpu.memory_space<vmem>>, vector<16xf32>,
    %get3A_112 = arith.constant 240 : index
    %get3A_113 = tpu.vector_load %arg9[%get3A_112] {strides = array<i32>} : memref<512xf32, #tpu.memory_space<vmem>>, vector<16xf32>,
    %get3A_114 = arith.constant 240 : index
    %get3A_115 = tpu.vector_load %arg10[%get3A_114] {strides = array<i32>} : memref<512xf32, #tpu.memory_space<vmem>>, vector<16xf32>,
    %add3A_116 = arith.addf %get3A_113, %get3A_115 : vector<16xf32>
    %swap3A_117 = arith.constant 240 : index
    %swap3A_118 = tpu.vector_load %arg11[%swap3A_117] {strides = array<i32>} : memref<512xf32, #tpu.memory_space<vmem>>, vector<16xf32>,
    tpu.vector_store %arg11[%swap3A_117], %add3A_116 {strides = array<i32>} : memref<512xf32, #tpu.memory_space<vmem>>, vector<16xf32>,
    %get3A_119 = arith.constant 256 : index
    %get3A_120 = tpu.vector_load %arg9[%get3A_119] {strides = array<i32>} : memref<512xf32, #tpu.memory_space<vmem>>, vector<16xf32>,
    %get3A_121 = arith.constant 256 : index
    %get3A_122 = tpu.vector_load %arg10[%get3A_121] {strides = array<i32>} : memref<512xf32, #tpu.memory_space<vmem>>, vector<16xf32>,
    %add3A_123 = arith.addf %get3A_120, %get3A_122 : vector<16xf32>
    %swap3A_124 = arith.constant 256 : index
    %swap3A_125 = tpu.vector_load %arg11[%swap3A_124] {strides = array<i32>} : memref<512xf32, #tpu.memory_space<vmem>>, vector<16xf32>,
    tpu.vector_store %arg11[%swap3A_124], %add3A_123 {strides = array<i32>} : memref<512xf32, #tpu.memory_space<vmem>>, vector<16xf32>,
    %get3A_126 = arith.constant 272 : index
    %get3A_127 = tpu.vector_load %arg9[%get3A_126] {strides = array<i32>} : memref<512xf32, #tpu.memory_space<vmem>>, vector<16xf32>,
    %get3A_128 = arith.constant 272 : index
    %get3A_129 = tpu.vector_load %arg10[%get3A_128] {strides = array<i32>} : memref<512xf32, #tpu.memory_space<vmem>>, vector<16xf32>,
    %add3A_130 = arith.addf %get3A_127, %get3A_129 : vector<16xf32>
    %swap3A_131 = arith.constant 272 : index
    %swap3A_132 = tpu.vector_load %arg11[%swap3A_131] {strides = array<i32>} : memref<512xf32, #tpu.memory_space<vmem>>, vector<16xf32>,
    tpu.vector_store %arg11[%swap3A_131], %add3A_130 {strides = array<i32>} : memref<512xf32, #tpu.memory_space<vmem>>, vector<16xf32>,
    %get3A_133 = arith.constant 288 : index
    %get3A_134 = tpu.vector_load %arg9[%get3A_133] {strides = array<i32>} : memref<512xf32, #tpu.memory_space<vmem>>, vector<16xf32>,
    %get3A_135 = arith.constant 288 : index
    %get3A_136 = tpu.vector_load %arg10[%get3A_135] {strides = array<i32>} : memref<512xf32, #tpu.memory_space<vmem>>, vector<16xf32>,
    %add3A_137 = arith.addf %get3A_134, %get3A_136 : vector<16xf32>
    %swap3A_138 = arith.constant 288 : index
    %swap3A_139 = tpu.vector_load %arg11[%swap3A_138] {strides = array<i32>} : memref<512xf32, #tpu.memory_space<vmem>>, vector<16xf32>,
    tpu.vector_store %arg11[%swap3A_138], %add3A_137 {strides = array<i32>} : memref<512xf32, #tpu.memory_space<vmem>>, vector<16xf32>,
    %get3A_140 = arith.constant 304 : index
    %get3A_141 = tpu.vector_load %arg9[%get3A_140] {strides = array<i32>} : memref<512xf32, #tpu.memory_space<vmem>>, vector<16xf32>,
    %get3A_142 = arith.constant 304 : index
    %get3A_143 = tpu.vector_load %arg10[%get3A_142] {strides = array<i32>} : memref<512xf32, #tpu.memory_space<vmem>>, vector<16xf32>,
    %add3A_144 = arith.addf %get3A_141, %get3A_143 : vector<16xf32>
    %swap3A_145 = arith.constant 304 : index
    %swap3A_146 = tpu.vector_load %arg11[%swap3A_145] {strides = array<i32>} : memref<512xf32, #tpu.memory_space<vmem>>, vector<16xf32>,
    tpu.vector_store %arg11[%swap3A_145], %add3A_144 {strides = array<i32>} : memref<512xf32, #tpu.memory_space<vmem>>, vector<16xf32>,
    %get3A_147 = arith.constant 320 : index
    %get3A_148 = tpu.vector_load %arg9[%get3A_147] {strides = array<i32>} : memref<512xf32, #tpu.memory_space<vmem>>, vector<16xf32>,
    %get3A_149 = arith.constant 320 : index
    %get3A_150 = tpu.vector_load %arg10[%get3A_149] {strides = array<i32>} : memref<512xf32, #tpu.memory_space<vmem>>, vector<16xf32>,
    %add3A_151 = arith.addf %get3A_148, %get3A_150 : vector<16xf32>
    %swap3A_152 = arith.constant 320 : index
    %swap3A_153 = tpu.vector_load %arg11[%swap3A_152] {strides = array<i32>} : memref<512xf32, #tpu.memory_space<vmem>>, vector<16xf32>,
    tpu.vector_store %arg11[%swap3A_152], %add3A_151 {strides = array<i32>} : memref<512xf32, #tpu.memory_space<vmem>>, vector<16xf32>,
    %get3A_154 = arith.constant 336 : index
    %get3A_155 = tpu.vector_load %arg9[%get3A_154] {strides = array<i32>} : memref<512xf32, #tpu.memory_space<vmem>>, vector<16xf32>,
    %get3A_156 = arith.constant 336 : index
    %get3A_157 = tpu.vector_load %arg10[%get3A_156] {strides = array<i32>} : memref<512xf32, #tpu.memory_space<vmem>>, vector<16xf32>,
    %add3A_158 = arith.addf %get3A_155, %get3A_157 : vector<16xf32>
    %swap3A_159 = arith.constant 336 : index
    %swap3A_160 = tpu.vector_load %arg11[%swap3A_159] {strides = array<i32>} : memref<512xf32, #tpu.memory_space<vmem>>, vector<16xf32>,
    tpu.vector_store %arg11[%swap3A_159], %add3A_158 {strides = array<i32>} : memref<512xf32, #tpu.memory_space<vmem>>, vector<16xf32>,
    %get3A_161 = arith.constant 352 : index
    %get3A_162 = tpu.vector_load %arg9[%get3A_161] {strides = array<i32>} : memref<512xf32, #tpu.memory_space<vmem>>, vector<16xf32>,
    %get3A_163 = arith.constant 352 : index
    %get3A_164 = tpu.vector_load %arg10[%get3A_163] {strides = array<i32>} : memref<512xf32, #tpu.memory_space<vmem>>, vector<16xf32>,
    %add3A_165 = arith.addf %get3A_162, %get3A_164 : vector<16xf32>
    %swap3A_166 = arith.constant 352 : index
    %swap3A_167 = tpu.vector_load %arg11[%swap3A_166] {strides = array<i32>} : memref<512xf32, #tpu.memory_space<vmem>>, vector<16xf32>,
    tpu.vector_store %arg11[%swap3A_166], %add3A_165 {strides = array<i32>} : memref<512xf32, #tpu.memory_space<vmem>>, vector<16xf32>,
    %get3A_168 = arith.constant 368 : index
    %get3A_169 = tpu.vector_load %arg9[%get3A_168] {strides = array<i32>} : memref<512xf32, #tpu.memory_space<vmem>>, vector<16xf32>,
    %get3A_170 = arith.constant 368 : index
    %get3A_171 = tpu.vector_load %arg10[%get3A_170] {strides = array<i32>} : memref<512xf32, #tpu.memory_space<vmem>>, vector<16xf32>,
    %add3A_172 = arith.addf %get3A_169, %get3A_171 : vector<16xf32>
    %swap3A_173 = arith.constant 368 : index
    %swap3A_174 = tpu.vector_load %arg11[%swap3A_173] {strides = array<i32>} : memref<512xf32, #tpu.memory_space<vmem>>, vector<16xf32>,
    tpu.vector_store %arg11[%swap3A_173], %add3A_172 {strides = array<i32>} : memref<512xf32, #tpu.memory_space<vmem>>, vector<16xf32>,
    %get3A_175 = arith.constant 384 : index
    %get3A_176 = tpu.vector_load %arg9[%get3A_175] {strides = array<i32>} : memref<512xf32, #tpu.memory_space<vmem>>, vector<16xf32>,
    %get3A_177 = arith.constant 384 : index
    %get3A_178 = tpu.vector_load %arg10[%get3A_177] {strides = array<i32>} : memref<512xf32, #tpu.memory_space<vmem>>, vector<16xf32>,
    %add3A_179 = arith.addf %get3A_176, %get3A_178 : vector<16xf32>
    %swap3A_180 = arith.constant 384 : index
    %swap3A_181 = tpu.vector_load %arg11[%swap3A_180] {strides = array<i32>} : memref<512xf32, #tpu.memory_space<vmem>>, vector<16xf32>,
    tpu.vector_store %arg11[%swap3A_180], %add3A_179 {strides = array<i32>} : memref<512xf32, #tpu.memory_space<vmem>>, vector<16xf32>,
    %get3A_182 = arith.constant 400 : index
    %get3A_183 = tpu.vector_load %arg9[%get3A_182] {strides = array<i32>} : memref<512xf32, #tpu.memory_space<vmem>>, vector<16xf32>,
    %get3A_184 = arith.constant 400 : index
    %get3A_185 = tpu.vector_load %arg10[%get3A_184] {strides = array<i32>} : memref<512xf32, #tpu.memory_space<vmem>>, vector<16xf32>,
    %add3A_186 = arith.addf %get3A_183, %get3A_185 : vector<16xf32>
    %swap3A_187 = arith.constant 400 : index
    %swap3A_188 = tpu.vector_load %arg11[%swap3A_187] {strides = array<i32>} : memref<512xf32, #tpu.memory_space<vmem>>, vector<16xf32>,
    tpu.vector_store %arg11[%swap3A_187], %add3A_186 {strides = array<i32>} : memref<512xf32, #tpu.memory_space<vmem>>, vector<16xf32>,
    %get3A_189 = arith.constant 416 : index
    %get3A_190 = tpu.vector_load %arg9[%get3A_189] {strides = array<i32>} : memref<512xf32, #tpu.memory_space<vmem>>, vector<16xf32>,
    %get3A_191 = arith.constant 416 : index
    %get3A_192 = tpu.vector_load %arg10[%get3A_191] {strides = array<i32>} : memref<512xf32, #tpu.memory_space<vmem>>, vector<16xf32>,
    %add3A_193 = arith.addf %get3A_190, %get3A_192 : vector<16xf32>
    %swap3A_194 = arith.constant 416 : index
    %swap3A_195 = tpu.vector_load %arg11[%swap3A_194] {strides = array<i32>} : memref<512xf32, #tpu.memory_space<vmem>>, vector<16xf32>,
    tpu.vector_store %arg11[%swap3A_194], %add3A_193 {strides = array<i32>} : memref<512xf32, #tpu.memory_space<vmem>>, vector<16xf32>,
    %get3A_196 = arith.constant 432 : index
    %get3A_197 = tpu.vector_load %arg9[%get3A_196] {strides = array<i32>} : memref<512xf32, #tpu.memory_space<vmem>>, vector<16xf32>,
    %get3A_198 = arith.constant 432 : index
    %get3A_199 = tpu.vector_load %arg10[%get3A_198] {strides = array<i32>} : memref<512xf32, #tpu.memory_space<vmem>>, vector<16xf32>,
    %add3A_200 = arith.addf %get3A_197, %get3A_199 : vector<16xf32>
    %swap3A_201 = arith.constant 432 : index
    %swap3A_202 = tpu.vector_load %arg11[%swap3A_201] {strides = array<i32>} : memref<512xf32, #tpu.memory_space<vmem>>, vector<16xf32>,
    tpu.vector_store %arg11[%swap3A_201], %add3A_200 {strides = array<i32>} : memref<512xf32, #tpu.memory_space<vmem>>, vector<16xf32>,
    %get3A_203 = arith.constant 448 : index
    %get3A_204 = tpu.vector_load %arg9[%get3A_203] {strides = array<i32>} : memref<512xf32, #tpu.memory_space<vmem>>, vector<16xf32>,
    %get3A_205 = arith.constant 448 : index
    %get3A_206 = tpu.vector_load %arg10[%get3A_205] {strides = array<i32>} : memref<512xf32, #tpu.memory_space<vmem>>, vector<16xf32>,
    %add3A_207 = arith.addf %get3A_204, %get3A_206 : vector<16xf32>
    %swap3A_208 = arith.constant 448 : index
    %swap3A_209 = tpu.vector_load %arg11[%swap3A_208] {strides = array<i32>} : memref<512xf32, #tpu.memory_space<vmem>>, vector<16xf32>,
    tpu.vector_store %arg11[%swap3A_208], %add3A_207 {strides = array<i32>} : memref<512xf32, #tpu.memory_space<vmem>>, vector<16xf32>,
    %get3A_210 = arith.constant 464 : index
    %get3A_211 = tpu.vector_load %arg9[%get3A_210] {strides = array<i32>} : memref<512xf32, #tpu.memory_space<vmem>>, vector<16xf32>,
    %get3A_212 = arith.constant 464 : index
    %get3A_213 = tpu.vector_load %arg10[%get3A_212] {strides = array<i32>} : memref<512xf32, #tpu.memory_space<vmem>>, vector<16xf32>,
    %add3A_214 = arith.addf %get3A_211, %get3A_213 : vector<16xf32>
    %swap3A_215 = arith.constant 464 : index
    %swap3A_216 = tpu.vector_load %arg11[%swap3A_215] {strides = array<i32>} : memref<512xf32, #tpu.memory_space<vmem>>, vector<16xf32>,
    tpu.vector_store %arg11[%swap3A_215], %add3A_214 {strides = array<i32>} : memref<512xf32, #tpu.memory_space<vmem>>, vector<16xf32>,
    %get3A_217 = arith.constant 480 : index
    %get3A_218 = tpu.vector_load %arg9[%get3A_217] {strides = array<i32>} : memref<512xf32, #tpu.memory_space<vmem>>, vector<16xf32>,
    %get3A_219 = arith.constant 480 : index
    %get3A_220 = tpu.vector_load %arg10[%get3A_219] {strides = array<i32>} : memref<512xf32, #tpu.memory_space<vmem>>, vector<16xf32>,
    %add3A_221 = arith.addf %get3A_218, %get3A_220 : vector<16xf32>
    %swap3A_222 = arith.constant 480 : index
    %swap3A_223 = tpu.vector_load %arg11[%swap3A_222] {strides = array<i32>} : memref<512xf32, #tpu.memory_space<vmem>>, vector<16xf32>,
    tpu.vector_store %arg11[%swap3A_222], %add3A_221 {strides = array<i32>} : memref<512xf32, #tpu.memory_space<vmem>>, vector<16xf32>,
    %get3A_224 = arith.constant 496 : index
    %get3A_225 = tpu.vector_load %arg9[%get3A_224] {strides = array<i32>} : memref<512xf32, #tpu.memory_space<vmem>>, vector<16xf32>,
    %get3A_226 = arith.constant 496 : index
    %get3A_227 = tpu.vector_load %arg10[%get3A_226] {strides = array<i32>} : memref<512xf32, #tpu.memory_space<vmem>>, vector<16xf32>,
    %add3A_228 = arith.addf %get3A_225, %get3A_227 : vector<16xf32>
    %swap3A_229 = arith.constant 496 : index
    %swap3A_230 = tpu.vector_load %arg11[%swap3A_229] {strides = array<i32>} : memref<512xf32, #tpu.memory_space<vmem>>, vector<16xf32>,
    tpu.vector_store %arg11[%swap3A_229], %add3A_228 {strides = array<i32>} : memref<512xf32, #tpu.memory_space<vmem>>, vector<16xf32>,
    "tpu.region"() ({
      %run_scoped3A = tpu.sem_alloc : memref<!tpu.dma_semaphore, #tpu.memory_space<semaphore_mem>>
      %dma_start3A_231 = tpu.memref_slice %arg6[%mul3A_2] : memref<16384xf32, #tpu.memory_space<hbm>> -> memref<512xf32, #tpu.memory_space<hbm>>
      %dma_start3A_232 = tpu.memref_slice %arg6[%mul3A_2] : memref<16384xf32, #tpu.memory_space<hbm>> -> memref<512xf32, #tpu.memory_space<hbm>>
      tpu.enqueue_dma source(%arg11 : memref<512xf32, #tpu.memory_space<vmem>>) target(%dma_start3A_232 : memref<512xf32, #tpu.memory_space<hbm>>) target_semaphore(%run_scoped3A : memref<!tpu.dma_semaphore, #tpu.memory_space<semaphore_mem>>)
      %dma_wait3A_233 = tpu.memref_slice %arg6[%mul3A_2] : memref<16384xf32, #tpu.memory_space<hbm>> -> memref<512xf32, #tpu.memory_space<hbm>>
      %dma_wait3A_234 = tpu.memref_slice %arg6[%mul3A_2] : memref<16384xf32, #tpu.memory_space<hbm>> -> memref<512xf32, #tpu.memory_space<hbm>>
      tpu.wait_dma2 semaphore(%run_scoped3A : memref<!tpu.dma_semaphore, #tpu.memory_space<semaphore_mem>>) src(%arg11 : memref<512xf32, #tpu.memory_space<vmem>>) dst(%dma_wait3A_234 : memref<512xf32, #tpu.memory_space<hbm>>)
      tpu.yield
    }) : () -> ()
    return
  }
}

module attributes {stable_mosaic.version = 14 : i64} {
  func.func @_matvec_body(%arg0: i32, %arg1: memref<32x32768xf32, #tpu.memory_space<vmem>>, %arg2: memref<32x32768xf32, #tpu.memory_space<vmem>>, %arg3: memref<80xf32, #tpu.memory_space<smem>>, %arg4: memref<32768xf32, #tpu.memory_space<vmem>>, %arg5: memref<32768xf32, #tpu.memory_space<vmem>>) attributes {dimension_semantics = [#tpu.dimension_semantics<arbitrary>], iteration_bounds = array<i64: 31>, scalar_prefetch = 0 : i64, scratch_operands = 0 : i64, tpu.core_type = #tpu.core_type<tc>, window_params = [{transform_indices = @transform_0, window_bounds = array<i64: 32, 32768>}, {transform_indices = @transform_1, window_bounds = array<i64: 32, 32768>}, {transform_indices = @transform_2, window_bounds = array<i64: 80>}, {transform_indices = @transform_3, window_bounds = array<i64: 32768>}, {transform_indices = @transform_4, window_bounds = array<i64: 32768>}]} {
    %get3A = arith.constant 64 : index
    %get3A_0 = memref.load %arg3[%get3A] : memref<80xf32, #tpu.memory_space<smem>>
    %broadcast_in_dim3A = vector.broadcast %get3A_0 : f32 to vector<32768xf32>
    %broadcast_in_dim3A_1 = arith.constant 0.000000e+00 : f32
    %broadcast_in_dim3A_2 = vector.broadcast %broadcast_in_dim3A_1 : f32 to vector<32768xf32>
    %get3A_3 = arith.constant 0 : index
    %get3A_4 = arith.constant 0 : index
    %get3A_5 = vector.load %arg1[%get3A_3, %get3A_4] : memref<32x32768xf32, #tpu.memory_space<vmem>>, vector<1x32768xf32>
    %get3A_6 = vector.shape_cast %get3A_5 : vector<1x32768xf32> to vector<32768xf32>
    %get3A_7 = arith.constant 0 : index
    %get3A_8 = memref.load %arg3[%get3A_7] : memref<80xf32, #tpu.memory_space<smem>>
    %mul3A = vector.broadcast %get3A_8 : f32 to vector<32768xf32>
    %mul3A_9 = arith.mulf %get3A_6, %mul3A : vector<32768xf32>
    %add3A = arith.addf %broadcast_in_dim3A, %mul3A_9 : vector<32768xf32>
    %get3A_10 = arith.constant 0 : index
    %get3A_11 = arith.constant 0 : index
    %get3A_12 = vector.load %arg2[%get3A_10, %get3A_11] : memref<32x32768xf32, #tpu.memory_space<vmem>>, vector<1x32768xf32>
    %get3A_13 = vector.shape_cast %get3A_12 : vector<1x32768xf32> to vector<32768xf32>
    %get3A_14 = arith.constant 32 : index
    %get3A_15 = memref.load %arg3[%get3A_14] : memref<80xf32, #tpu.memory_space<smem>>
    %mul3A_16 = vector.broadcast %get3A_15 : f32 to vector<32768xf32>
    %mul3A_17 = arith.mulf %get3A_13, %mul3A_16 : vector<32768xf32>
    %add3A_18 = arith.addf %broadcast_in_dim3A_2, %mul3A_17 : vector<32768xf32>
    %get3A_19 = arith.constant 1 : index
    %get3A_20 = arith.constant 0 : index
    %get3A_21 = vector.load %arg1[%get3A_19, %get3A_20] : memref<32x32768xf32, #tpu.memory_space<vmem>>, vector<1x32768xf32>
    %get3A_22 = vector.shape_cast %get3A_21 : vector<1x32768xf32> to vector<32768xf32>
    %get3A_23 = arith.constant 1 : index
    %get3A_24 = memref.load %arg3[%get3A_23] : memref<80xf32, #tpu.memory_space<smem>>
    %mul3A_25 = vector.broadcast %get3A_24 : f32 to vector<32768xf32>
    %mul3A_26 = arith.mulf %get3A_22, %mul3A_25 : vector<32768xf32>
    %add3A_27 = arith.addf %add3A, %mul3A_26 : vector<32768xf32>
    %get3A_28 = arith.constant 1 : index
    %get3A_29 = arith.constant 0 : index
    %get3A_30 = vector.load %arg2[%get3A_28, %get3A_29] : memref<32x32768xf32, #tpu.memory_space<vmem>>, vector<1x32768xf32>
    %get3A_31 = vector.shape_cast %get3A_30 : vector<1x32768xf32> to vector<32768xf32>
    %get3A_32 = arith.constant 33 : index
    %get3A_33 = memref.load %arg3[%get3A_32] : memref<80xf32, #tpu.memory_space<smem>>
    %mul3A_34 = vector.broadcast %get3A_33 : f32 to vector<32768xf32>
    %mul3A_35 = arith.mulf %get3A_31, %mul3A_34 : vector<32768xf32>
    %add3A_36 = arith.addf %add3A_18, %mul3A_35 : vector<32768xf32>
    %get3A_37 = arith.constant 2 : index
    %get3A_38 = arith.constant 0 : index
    %get3A_39 = vector.load %arg1[%get3A_37, %get3A_38] : memref<32x32768xf32, #tpu.memory_space<vmem>>, vector<1x32768xf32>
    %get3A_40 = vector.shape_cast %get3A_39 : vector<1x32768xf32> to vector<32768xf32>
    %get3A_41 = arith.constant 2 : index
    %get3A_42 = memref.load %arg3[%get3A_41] : memref<80xf32, #tpu.memory_space<smem>>
    %mul3A_43 = vector.broadcast %get3A_42 : f32 to vector<32768xf32>
    %mul3A_44 = arith.mulf %get3A_40, %mul3A_43 : vector<32768xf32>
    %add3A_45 = arith.addf %add3A_27, %mul3A_44 : vector<32768xf32>
    %get3A_46 = arith.constant 2 : index
    %get3A_47 = arith.constant 0 : index
    %get3A_48 = vector.load %arg2[%get3A_46, %get3A_47] : memref<32x32768xf32, #tpu.memory_space<vmem>>, vector<1x32768xf32>
    %get3A_49 = vector.shape_cast %get3A_48 : vector<1x32768xf32> to vector<32768xf32>
    %get3A_50 = arith.constant 34 : index
    %get3A_51 = memref.load %arg3[%get3A_50] : memref<80xf32, #tpu.memory_space<smem>>
    %mul3A_52 = vector.broadcast %get3A_51 : f32 to vector<32768xf32>
    %mul3A_53 = arith.mulf %get3A_49, %mul3A_52 : vector<32768xf32>
    %add3A_54 = arith.addf %add3A_36, %mul3A_53 : vector<32768xf32>
    %get3A_55 = arith.constant 3 : index
    %get3A_56 = arith.constant 0 : index
    %get3A_57 = vector.load %arg1[%get3A_55, %get3A_56] : memref<32x32768xf32, #tpu.memory_space<vmem>>, vector<1x32768xf32>
    %get3A_58 = vector.shape_cast %get3A_57 : vector<1x32768xf32> to vector<32768xf32>
    %get3A_59 = arith.constant 3 : index
    %get3A_60 = memref.load %arg3[%get3A_59] : memref<80xf32, #tpu.memory_space<smem>>
    %mul3A_61 = vector.broadcast %get3A_60 : f32 to vector<32768xf32>
    %mul3A_62 = arith.mulf %get3A_58, %mul3A_61 : vector<32768xf32>
    %add3A_63 = arith.addf %add3A_45, %mul3A_62 : vector<32768xf32>
    %get3A_64 = arith.constant 3 : index
    %get3A_65 = arith.constant 0 : index
    %get3A_66 = vector.load %arg2[%get3A_64, %get3A_65] : memref<32x32768xf32, #tpu.memory_space<vmem>>, vector<1x32768xf32>
    %get3A_67 = vector.shape_cast %get3A_66 : vector<1x32768xf32> to vector<32768xf32>
    %get3A_68 = arith.constant 35 : index
    %get3A_69 = memref.load %arg3[%get3A_68] : memref<80xf32, #tpu.memory_space<smem>>
    %mul3A_70 = vector.broadcast %get3A_69 : f32 to vector<32768xf32>
    %mul3A_71 = arith.mulf %get3A_67, %mul3A_70 : vector<32768xf32>
    %add3A_72 = arith.addf %add3A_54, %mul3A_71 : vector<32768xf32>
    %get3A_73 = arith.constant 4 : index
    %get3A_74 = arith.constant 0 : index
    %get3A_75 = vector.load %arg1[%get3A_73, %get3A_74] : memref<32x32768xf32, #tpu.memory_space<vmem>>, vector<1x32768xf32>
    %get3A_76 = vector.shape_cast %get3A_75 : vector<1x32768xf32> to vector<32768xf32>
    %get3A_77 = arith.constant 4 : index
    %get3A_78 = memref.load %arg3[%get3A_77] : memref<80xf32, #tpu.memory_space<smem>>
    %mul3A_79 = vector.broadcast %get3A_78 : f32 to vector<32768xf32>
    %mul3A_80 = arith.mulf %get3A_76, %mul3A_79 : vector<32768xf32>
    %add3A_81 = arith.addf %add3A_63, %mul3A_80 : vector<32768xf32>
    %get3A_82 = arith.constant 4 : index
    %get3A_83 = arith.constant 0 : index
    %get3A_84 = vector.load %arg2[%get3A_82, %get3A_83] : memref<32x32768xf32, #tpu.memory_space<vmem>>, vector<1x32768xf32>
    %get3A_85 = vector.shape_cast %get3A_84 : vector<1x32768xf32> to vector<32768xf32>
    %get3A_86 = arith.constant 36 : index
    %get3A_87 = memref.load %arg3[%get3A_86] : memref<80xf32, #tpu.memory_space<smem>>
    %mul3A_88 = vector.broadcast %get3A_87 : f32 to vector<32768xf32>
    %mul3A_89 = arith.mulf %get3A_85, %mul3A_88 : vector<32768xf32>
    %add3A_90 = arith.addf %add3A_72, %mul3A_89 : vector<32768xf32>
    %get3A_91 = arith.constant 5 : index
    %get3A_92 = arith.constant 0 : index
    %get3A_93 = vector.load %arg1[%get3A_91, %get3A_92] : memref<32x32768xf32, #tpu.memory_space<vmem>>, vector<1x32768xf32>
    %get3A_94 = vector.shape_cast %get3A_93 : vector<1x32768xf32> to vector<32768xf32>
    %get3A_95 = arith.constant 5 : index
    %get3A_96 = memref.load %arg3[%get3A_95] : memref<80xf32, #tpu.memory_space<smem>>
    %mul3A_97 = vector.broadcast %get3A_96 : f32 to vector<32768xf32>
    %mul3A_98 = arith.mulf %get3A_94, %mul3A_97 : vector<32768xf32>
    %add3A_99 = arith.addf %add3A_81, %mul3A_98 : vector<32768xf32>
    %get3A_100 = arith.constant 5 : index
    %get3A_101 = arith.constant 0 : index
    %get3A_102 = vector.load %arg2[%get3A_100, %get3A_101] : memref<32x32768xf32, #tpu.memory_space<vmem>>, vector<1x32768xf32>
    %get3A_103 = vector.shape_cast %get3A_102 : vector<1x32768xf32> to vector<32768xf32>
    %get3A_104 = arith.constant 37 : index
    %get3A_105 = memref.load %arg3[%get3A_104] : memref<80xf32, #tpu.memory_space<smem>>
    %mul3A_106 = vector.broadcast %get3A_105 : f32 to vector<32768xf32>
    %mul3A_107 = arith.mulf %get3A_103, %mul3A_106 : vector<32768xf32>
    %add3A_108 = arith.addf %add3A_90, %mul3A_107 : vector<32768xf32>
    %get3A_109 = arith.constant 6 : index
    %get3A_110 = arith.constant 0 : index
    %get3A_111 = vector.load %arg1[%get3A_109, %get3A_110] : memref<32x32768xf32, #tpu.memory_space<vmem>>, vector<1x32768xf32>
    %get3A_112 = vector.shape_cast %get3A_111 : vector<1x32768xf32> to vector<32768xf32>
    %get3A_113 = arith.constant 6 : index
    %get3A_114 = memref.load %arg3[%get3A_113] : memref<80xf32, #tpu.memory_space<smem>>
    %mul3A_115 = vector.broadcast %get3A_114 : f32 to vector<32768xf32>
    %mul3A_116 = arith.mulf %get3A_112, %mul3A_115 : vector<32768xf32>
    %add3A_117 = arith.addf %add3A_99, %mul3A_116 : vector<32768xf32>
    %get3A_118 = arith.constant 6 : index
    %get3A_119 = arith.constant 0 : index
    %get3A_120 = vector.load %arg2[%get3A_118, %get3A_119] : memref<32x32768xf32, #tpu.memory_space<vmem>>, vector<1x32768xf32>
    %get3A_121 = vector.shape_cast %get3A_120 : vector<1x32768xf32> to vector<32768xf32>
    %get3A_122 = arith.constant 38 : index
    %get3A_123 = memref.load %arg3[%get3A_122] : memref<80xf32, #tpu.memory_space<smem>>
    %mul3A_124 = vector.broadcast %get3A_123 : f32 to vector<32768xf32>
    %mul3A_125 = arith.mulf %get3A_121, %mul3A_124 : vector<32768xf32>
    %add3A_126 = arith.addf %add3A_108, %mul3A_125 : vector<32768xf32>
    %get3A_127 = arith.constant 7 : index
    %get3A_128 = arith.constant 0 : index
    %get3A_129 = vector.load %arg1[%get3A_127, %get3A_128] : memref<32x32768xf32, #tpu.memory_space<vmem>>, vector<1x32768xf32>
    %get3A_130 = vector.shape_cast %get3A_129 : vector<1x32768xf32> to vector<32768xf32>
    %get3A_131 = arith.constant 7 : index
    %get3A_132 = memref.load %arg3[%get3A_131] : memref<80xf32, #tpu.memory_space<smem>>
    %mul3A_133 = vector.broadcast %get3A_132 : f32 to vector<32768xf32>
    %mul3A_134 = arith.mulf %get3A_130, %mul3A_133 : vector<32768xf32>
    %add3A_135 = arith.addf %add3A_117, %mul3A_134 : vector<32768xf32>
    %get3A_136 = arith.constant 7 : index
    %get3A_137 = arith.constant 0 : index
    %get3A_138 = vector.load %arg2[%get3A_136, %get3A_137] : memref<32x32768xf32, #tpu.memory_space<vmem>>, vector<1x32768xf32>
    %get3A_139 = vector.shape_cast %get3A_138 : vector<1x32768xf32> to vector<32768xf32>
    %get3A_140 = arith.constant 39 : index
    %get3A_141 = memref.load %arg3[%get3A_140] : memref<80xf32, #tpu.memory_space<smem>>
    %mul3A_142 = vector.broadcast %get3A_141 : f32 to vector<32768xf32>
    %mul3A_143 = arith.mulf %get3A_139, %mul3A_142 : vector<32768xf32>
    %add3A_144 = arith.addf %add3A_126, %mul3A_143 : vector<32768xf32>
    %get3A_145 = arith.constant 8 : index
    %get3A_146 = arith.constant 0 : index
    %get3A_147 = vector.load %arg1[%get3A_145, %get3A_146] : memref<32x32768xf32, #tpu.memory_space<vmem>>, vector<1x32768xf32>
    %get3A_148 = vector.shape_cast %get3A_147 : vector<1x32768xf32> to vector<32768xf32>
    %get3A_149 = arith.constant 8 : index
    %get3A_150 = memref.load %arg3[%get3A_149] : memref<80xf32, #tpu.memory_space<smem>>
    %mul3A_151 = vector.broadcast %get3A_150 : f32 to vector<32768xf32>
    %mul3A_152 = arith.mulf %get3A_148, %mul3A_151 : vector<32768xf32>
    %add3A_153 = arith.addf %add3A_135, %mul3A_152 : vector<32768xf32>
    %get3A_154 = arith.constant 8 : index
    %get3A_155 = arith.constant 0 : index
    %get3A_156 = vector.load %arg2[%get3A_154, %get3A_155] : memref<32x32768xf32, #tpu.memory_space<vmem>>, vector<1x32768xf32>
    %get3A_157 = vector.shape_cast %get3A_156 : vector<1x32768xf32> to vector<32768xf32>
    %get3A_158 = arith.constant 40 : index
    %get3A_159 = memref.load %arg3[%get3A_158] : memref<80xf32, #tpu.memory_space<smem>>
    %mul3A_160 = vector.broadcast %get3A_159 : f32 to vector<32768xf32>
    %mul3A_161 = arith.mulf %get3A_157, %mul3A_160 : vector<32768xf32>
    %add3A_162 = arith.addf %add3A_144, %mul3A_161 : vector<32768xf32>
    %get3A_163 = arith.constant 9 : index
    %get3A_164 = arith.constant 0 : index
    %get3A_165 = vector.load %arg1[%get3A_163, %get3A_164] : memref<32x32768xf32, #tpu.memory_space<vmem>>, vector<1x32768xf32>
    %get3A_166 = vector.shape_cast %get3A_165 : vector<1x32768xf32> to vector<32768xf32>
    %get3A_167 = arith.constant 9 : index
    %get3A_168 = memref.load %arg3[%get3A_167] : memref<80xf32, #tpu.memory_space<smem>>
    %mul3A_169 = vector.broadcast %get3A_168 : f32 to vector<32768xf32>
    %mul3A_170 = arith.mulf %get3A_166, %mul3A_169 : vector<32768xf32>
    %add3A_171 = arith.addf %add3A_153, %mul3A_170 : vector<32768xf32>
    %get3A_172 = arith.constant 9 : index
    %get3A_173 = arith.constant 0 : index
    %get3A_174 = vector.load %arg2[%get3A_172, %get3A_173] : memref<32x32768xf32, #tpu.memory_space<vmem>>, vector<1x32768xf32>
    %get3A_175 = vector.shape_cast %get3A_174 : vector<1x32768xf32> to vector<32768xf32>
    %get3A_176 = arith.constant 41 : index
    %get3A_177 = memref.load %arg3[%get3A_176] : memref<80xf32, #tpu.memory_space<smem>>
    %mul3A_178 = vector.broadcast %get3A_177 : f32 to vector<32768xf32>
    %mul3A_179 = arith.mulf %get3A_175, %mul3A_178 : vector<32768xf32>
    %add3A_180 = arith.addf %add3A_162, %mul3A_179 : vector<32768xf32>
    %get3A_181 = arith.constant 10 : index
    %get3A_182 = arith.constant 0 : index
    %get3A_183 = vector.load %arg1[%get3A_181, %get3A_182] : memref<32x32768xf32, #tpu.memory_space<vmem>>, vector<1x32768xf32>
    %get3A_184 = vector.shape_cast %get3A_183 : vector<1x32768xf32> to vector<32768xf32>
    %get3A_185 = arith.constant 10 : index
    %get3A_186 = memref.load %arg3[%get3A_185] : memref<80xf32, #tpu.memory_space<smem>>
    %mul3A_187 = vector.broadcast %get3A_186 : f32 to vector<32768xf32>
    %mul3A_188 = arith.mulf %get3A_184, %mul3A_187 : vector<32768xf32>
    %add3A_189 = arith.addf %add3A_171, %mul3A_188 : vector<32768xf32>
    %get3A_190 = arith.constant 10 : index
    %get3A_191 = arith.constant 0 : index
    %get3A_192 = vector.load %arg2[%get3A_190, %get3A_191] : memref<32x32768xf32, #tpu.memory_space<vmem>>, vector<1x32768xf32>
    %get3A_193 = vector.shape_cast %get3A_192 : vector<1x32768xf32> to vector<32768xf32>
    %get3A_194 = arith.constant 42 : index
    %get3A_195 = memref.load %arg3[%get3A_194] : memref<80xf32, #tpu.memory_space<smem>>
    %mul3A_196 = vector.broadcast %get3A_195 : f32 to vector<32768xf32>
    %mul3A_197 = arith.mulf %get3A_193, %mul3A_196 : vector<32768xf32>
    %add3A_198 = arith.addf %add3A_180, %mul3A_197 : vector<32768xf32>
    %get3A_199 = arith.constant 11 : index
    %get3A_200 = arith.constant 0 : index
    %get3A_201 = vector.load %arg1[%get3A_199, %get3A_200] : memref<32x32768xf32, #tpu.memory_space<vmem>>, vector<1x32768xf32>
    %get3A_202 = vector.shape_cast %get3A_201 : vector<1x32768xf32> to vector<32768xf32>
    %get3A_203 = arith.constant 11 : index
    %get3A_204 = memref.load %arg3[%get3A_203] : memref<80xf32, #tpu.memory_space<smem>>
    %mul3A_205 = vector.broadcast %get3A_204 : f32 to vector<32768xf32>
    %mul3A_206 = arith.mulf %get3A_202, %mul3A_205 : vector<32768xf32>
    %add3A_207 = arith.addf %add3A_189, %mul3A_206 : vector<32768xf32>
    %get3A_208 = arith.constant 11 : index
    %get3A_209 = arith.constant 0 : index
    %get3A_210 = vector.load %arg2[%get3A_208, %get3A_209] : memref<32x32768xf32, #tpu.memory_space<vmem>>, vector<1x32768xf32>
    %get3A_211 = vector.shape_cast %get3A_210 : vector<1x32768xf32> to vector<32768xf32>
    %get3A_212 = arith.constant 43 : index
    %get3A_213 = memref.load %arg3[%get3A_212] : memref<80xf32, #tpu.memory_space<smem>>
    %mul3A_214 = vector.broadcast %get3A_213 : f32 to vector<32768xf32>
    %mul3A_215 = arith.mulf %get3A_211, %mul3A_214 : vector<32768xf32>
    %add3A_216 = arith.addf %add3A_198, %mul3A_215 : vector<32768xf32>
    %get3A_217 = arith.constant 12 : index
    %get3A_218 = arith.constant 0 : index
    %get3A_219 = vector.load %arg1[%get3A_217, %get3A_218] : memref<32x32768xf32, #tpu.memory_space<vmem>>, vector<1x32768xf32>
    %get3A_220 = vector.shape_cast %get3A_219 : vector<1x32768xf32> to vector<32768xf32>
    %get3A_221 = arith.constant 12 : index
    %get3A_222 = memref.load %arg3[%get3A_221] : memref<80xf32, #tpu.memory_space<smem>>
    %mul3A_223 = vector.broadcast %get3A_222 : f32 to vector<32768xf32>
    %mul3A_224 = arith.mulf %get3A_220, %mul3A_223 : vector<32768xf32>
    %add3A_225 = arith.addf %add3A_207, %mul3A_224 : vector<32768xf32>
    %get3A_226 = arith.constant 12 : index
    %get3A_227 = arith.constant 0 : index
    %get3A_228 = vector.load %arg2[%get3A_226, %get3A_227] : memref<32x32768xf32, #tpu.memory_space<vmem>>, vector<1x32768xf32>
    %get3A_229 = vector.shape_cast %get3A_228 : vector<1x32768xf32> to vector<32768xf32>
    %get3A_230 = arith.constant 44 : index
    %get3A_231 = memref.load %arg3[%get3A_230] : memref<80xf32, #tpu.memory_space<smem>>
    %mul3A_232 = vector.broadcast %get3A_231 : f32 to vector<32768xf32>
    %mul3A_233 = arith.mulf %get3A_229, %mul3A_232 : vector<32768xf32>
    %add3A_234 = arith.addf %add3A_216, %mul3A_233 : vector<32768xf32>
    %get3A_235 = arith.constant 13 : index
    %get3A_236 = arith.constant 0 : index
    %get3A_237 = vector.load %arg1[%get3A_235, %get3A_236] : memref<32x32768xf32, #tpu.memory_space<vmem>>, vector<1x32768xf32>
    %get3A_238 = vector.shape_cast %get3A_237 : vector<1x32768xf32> to vector<32768xf32>
    %get3A_239 = arith.constant 13 : index
    %get3A_240 = memref.load %arg3[%get3A_239] : memref<80xf32, #tpu.memory_space<smem>>
    %mul3A_241 = vector.broadcast %get3A_240 : f32 to vector<32768xf32>
    %mul3A_242 = arith.mulf %get3A_238, %mul3A_241 : vector<32768xf32>
    %add3A_243 = arith.addf %add3A_225, %mul3A_242 : vector<32768xf32>
    %get3A_244 = arith.constant 13 : index
    %get3A_245 = arith.constant 0 : index
    %get3A_246 = vector.load %arg2[%get3A_244, %get3A_245] : memref<32x32768xf32, #tpu.memory_space<vmem>>, vector<1x32768xf32>
    %get3A_247 = vector.shape_cast %get3A_246 : vector<1x32768xf32> to vector<32768xf32>
    %get3A_248 = arith.constant 45 : index
    %get3A_249 = memref.load %arg3[%get3A_248] : memref<80xf32, #tpu.memory_space<smem>>
    %mul3A_250 = vector.broadcast %get3A_249 : f32 to vector<32768xf32>
    %mul3A_251 = arith.mulf %get3A_247, %mul3A_250 : vector<32768xf32>
    %add3A_252 = arith.addf %add3A_234, %mul3A_251 : vector<32768xf32>
    %get3A_253 = arith.constant 14 : index
    %get3A_254 = arith.constant 0 : index
    %get3A_255 = vector.load %arg1[%get3A_253, %get3A_254] : memref<32x32768xf32, #tpu.memory_space<vmem>>, vector<1x32768xf32>
    %get3A_256 = vector.shape_cast %get3A_255 : vector<1x32768xf32> to vector<32768xf32>
    %get3A_257 = arith.constant 14 : index
    %get3A_258 = memref.load %arg3[%get3A_257] : memref<80xf32, #tpu.memory_space<smem>>
    %mul3A_259 = vector.broadcast %get3A_258 : f32 to vector<32768xf32>
    %mul3A_260 = arith.mulf %get3A_256, %mul3A_259 : vector<32768xf32>
    %add3A_261 = arith.addf %add3A_243, %mul3A_260 : vector<32768xf32>
    %get3A_262 = arith.constant 14 : index
    %get3A_263 = arith.constant 0 : index
    %get3A_264 = vector.load %arg2[%get3A_262, %get3A_263] : memref<32x32768xf32, #tpu.memory_space<vmem>>, vector<1x32768xf32>
    %get3A_265 = vector.shape_cast %get3A_264 : vector<1x32768xf32> to vector<32768xf32>
    %get3A_266 = arith.constant 46 : index
    %get3A_267 = memref.load %arg3[%get3A_266] : memref<80xf32, #tpu.memory_space<smem>>
    %mul3A_268 = vector.broadcast %get3A_267 : f32 to vector<32768xf32>
    %mul3A_269 = arith.mulf %get3A_265, %mul3A_268 : vector<32768xf32>
    %add3A_270 = arith.addf %add3A_252, %mul3A_269 : vector<32768xf32>
    %get3A_271 = arith.constant 15 : index
    %get3A_272 = arith.constant 0 : index
    %get3A_273 = vector.load %arg1[%get3A_271, %get3A_272] : memref<32x32768xf32, #tpu.memory_space<vmem>>, vector<1x32768xf32>
    %get3A_274 = vector.shape_cast %get3A_273 : vector<1x32768xf32> to vector<32768xf32>
    %get3A_275 = arith.constant 15 : index
    %get3A_276 = memref.load %arg3[%get3A_275] : memref<80xf32, #tpu.memory_space<smem>>
    %mul3A_277 = vector.broadcast %get3A_276 : f32 to vector<32768xf32>
    %mul3A_278 = arith.mulf %get3A_274, %mul3A_277 : vector<32768xf32>
    %add3A_279 = arith.addf %add3A_261, %mul3A_278 : vector<32768xf32>
    %get3A_280 = arith.constant 15 : index
    %get3A_281 = arith.constant 0 : index
    %get3A_282 = vector.load %arg2[%get3A_280, %get3A_281] : memref<32x32768xf32, #tpu.memory_space<vmem>>, vector<1x32768xf32>
    %get3A_283 = vector.shape_cast %get3A_282 : vector<1x32768xf32> to vector<32768xf32>
    %get3A_284 = arith.constant 47 : index
    %get3A_285 = memref.load %arg3[%get3A_284] : memref<80xf32, #tpu.memory_space<smem>>
    %mul3A_286 = vector.broadcast %get3A_285 : f32 to vector<32768xf32>
    %mul3A_287 = arith.mulf %get3A_283, %mul3A_286 : vector<32768xf32>
    %add3A_288 = arith.addf %add3A_270, %mul3A_287 : vector<32768xf32>
    %get3A_289 = arith.constant 16 : index
    %get3A_290 = arith.constant 0 : index
    %get3A_291 = vector.load %arg1[%get3A_289, %get3A_290] : memref<32x32768xf32, #tpu.memory_space<vmem>>, vector<1x32768xf32>
    %get3A_292 = vector.shape_cast %get3A_291 : vector<1x32768xf32> to vector<32768xf32>
    %get3A_293 = arith.constant 16 : index
    %get3A_294 = memref.load %arg3[%get3A_293] : memref<80xf32, #tpu.memory_space<smem>>
    %mul3A_295 = vector.broadcast %get3A_294 : f32 to vector<32768xf32>
    %mul3A_296 = arith.mulf %get3A_292, %mul3A_295 : vector<32768xf32>
    %add3A_297 = arith.addf %add3A_279, %mul3A_296 : vector<32768xf32>
    %get3A_298 = arith.constant 16 : index
    %get3A_299 = arith.constant 0 : index
    %get3A_300 = vector.load %arg2[%get3A_298, %get3A_299] : memref<32x32768xf32, #tpu.memory_space<vmem>>, vector<1x32768xf32>
    %get3A_301 = vector.shape_cast %get3A_300 : vector<1x32768xf32> to vector<32768xf32>
    %get3A_302 = arith.constant 48 : index
    %get3A_303 = memref.load %arg3[%get3A_302] : memref<80xf32, #tpu.memory_space<smem>>
    %mul3A_304 = vector.broadcast %get3A_303 : f32 to vector<32768xf32>
    %mul3A_305 = arith.mulf %get3A_301, %mul3A_304 : vector<32768xf32>
    %add3A_306 = arith.addf %add3A_288, %mul3A_305 : vector<32768xf32>
    %get3A_307 = arith.constant 17 : index
    %get3A_308 = arith.constant 0 : index
    %get3A_309 = vector.load %arg1[%get3A_307, %get3A_308] : memref<32x32768xf32, #tpu.memory_space<vmem>>, vector<1x32768xf32>
    %get3A_310 = vector.shape_cast %get3A_309 : vector<1x32768xf32> to vector<32768xf32>
    %get3A_311 = arith.constant 17 : index
    %get3A_312 = memref.load %arg3[%get3A_311] : memref<80xf32, #tpu.memory_space<smem>>
    %mul3A_313 = vector.broadcast %get3A_312 : f32 to vector<32768xf32>
    %mul3A_314 = arith.mulf %get3A_310, %mul3A_313 : vector<32768xf32>
    %add3A_315 = arith.addf %add3A_297, %mul3A_314 : vector<32768xf32>
    %get3A_316 = arith.constant 17 : index
    %get3A_317 = arith.constant 0 : index
    %get3A_318 = vector.load %arg2[%get3A_316, %get3A_317] : memref<32x32768xf32, #tpu.memory_space<vmem>>, vector<1x32768xf32>
    %get3A_319 = vector.shape_cast %get3A_318 : vector<1x32768xf32> to vector<32768xf32>
    %get3A_320 = arith.constant 49 : index
    %get3A_321 = memref.load %arg3[%get3A_320] : memref<80xf32, #tpu.memory_space<smem>>
    %mul3A_322 = vector.broadcast %get3A_321 : f32 to vector<32768xf32>
    %mul3A_323 = arith.mulf %get3A_319, %mul3A_322 : vector<32768xf32>
    %add3A_324 = arith.addf %add3A_306, %mul3A_323 : vector<32768xf32>
    %get3A_325 = arith.constant 18 : index
    %get3A_326 = arith.constant 0 : index
    %get3A_327 = vector.load %arg1[%get3A_325, %get3A_326] : memref<32x32768xf32, #tpu.memory_space<vmem>>, vector<1x32768xf32>
    %get3A_328 = vector.shape_cast %get3A_327 : vector<1x32768xf32> to vector<32768xf32>
    %get3A_329 = arith.constant 18 : index
    %get3A_330 = memref.load %arg3[%get3A_329] : memref<80xf32, #tpu.memory_space<smem>>
    %mul3A_331 = vector.broadcast %get3A_330 : f32 to vector<32768xf32>
    %mul3A_332 = arith.mulf %get3A_328, %mul3A_331 : vector<32768xf32>
    %add3A_333 = arith.addf %add3A_315, %mul3A_332 : vector<32768xf32>
    %get3A_334 = arith.constant 18 : index
    %get3A_335 = arith.constant 0 : index
    %get3A_336 = vector.load %arg2[%get3A_334, %get3A_335] : memref<32x32768xf32, #tpu.memory_space<vmem>>, vector<1x32768xf32>
    %get3A_337 = vector.shape_cast %get3A_336 : vector<1x32768xf32> to vector<32768xf32>
    %get3A_338 = arith.constant 50 : index
    %get3A_339 = memref.load %arg3[%get3A_338] : memref<80xf32, #tpu.memory_space<smem>>
    %mul3A_340 = vector.broadcast %get3A_339 : f32 to vector<32768xf32>
    %mul3A_341 = arith.mulf %get3A_337, %mul3A_340 : vector<32768xf32>
    %add3A_342 = arith.addf %add3A_324, %mul3A_341 : vector<32768xf32>
    %get3A_343 = arith.constant 19 : index
    %get3A_344 = arith.constant 0 : index
    %get3A_345 = vector.load %arg1[%get3A_343, %get3A_344] : memref<32x32768xf32, #tpu.memory_space<vmem>>, vector<1x32768xf32>
    %get3A_346 = vector.shape_cast %get3A_345 : vector<1x32768xf32> to vector<32768xf32>
    %get3A_347 = arith.constant 19 : index
    %get3A_348 = memref.load %arg3[%get3A_347] : memref<80xf32, #tpu.memory_space<smem>>
    %mul3A_349 = vector.broadcast %get3A_348 : f32 to vector<32768xf32>
    %mul3A_350 = arith.mulf %get3A_346, %mul3A_349 : vector<32768xf32>
    %add3A_351 = arith.addf %add3A_333, %mul3A_350 : vector<32768xf32>
    %get3A_352 = arith.constant 19 : index
    %get3A_353 = arith.constant 0 : index
    %get3A_354 = vector.load %arg2[%get3A_352, %get3A_353] : memref<32x32768xf32, #tpu.memory_space<vmem>>, vector<1x32768xf32>
    %get3A_355 = vector.shape_cast %get3A_354 : vector<1x32768xf32> to vector<32768xf32>
    %get3A_356 = arith.constant 51 : index
    %get3A_357 = memref.load %arg3[%get3A_356] : memref<80xf32, #tpu.memory_space<smem>>
    %mul3A_358 = vector.broadcast %get3A_357 : f32 to vector<32768xf32>
    %mul3A_359 = arith.mulf %get3A_355, %mul3A_358 : vector<32768xf32>
    %add3A_360 = arith.addf %add3A_342, %mul3A_359 : vector<32768xf32>
    %get3A_361 = arith.constant 20 : index
    %get3A_362 = arith.constant 0 : index
    %get3A_363 = vector.load %arg1[%get3A_361, %get3A_362] : memref<32x32768xf32, #tpu.memory_space<vmem>>, vector<1x32768xf32>
    %get3A_364 = vector.shape_cast %get3A_363 : vector<1x32768xf32> to vector<32768xf32>
    %get3A_365 = arith.constant 20 : index
    %get3A_366 = memref.load %arg3[%get3A_365] : memref<80xf32, #tpu.memory_space<smem>>
    %mul3A_367 = vector.broadcast %get3A_366 : f32 to vector<32768xf32>
    %mul3A_368 = arith.mulf %get3A_364, %mul3A_367 : vector<32768xf32>
    %add3A_369 = arith.addf %add3A_351, %mul3A_368 : vector<32768xf32>
    %get3A_370 = arith.constant 20 : index
    %get3A_371 = arith.constant 0 : index
    %get3A_372 = vector.load %arg2[%get3A_370, %get3A_371] : memref<32x32768xf32, #tpu.memory_space<vmem>>, vector<1x32768xf32>
    %get3A_373 = vector.shape_cast %get3A_372 : vector<1x32768xf32> to vector<32768xf32>
    %get3A_374 = arith.constant 52 : index
    %get3A_375 = memref.load %arg3[%get3A_374] : memref<80xf32, #tpu.memory_space<smem>>
    %mul3A_376 = vector.broadcast %get3A_375 : f32 to vector<32768xf32>
    %mul3A_377 = arith.mulf %get3A_373, %mul3A_376 : vector<32768xf32>
    %add3A_378 = arith.addf %add3A_360, %mul3A_377 : vector<32768xf32>
    %get3A_379 = arith.constant 21 : index
    %get3A_380 = arith.constant 0 : index
    %get3A_381 = vector.load %arg1[%get3A_379, %get3A_380] : memref<32x32768xf32, #tpu.memory_space<vmem>>, vector<1x32768xf32>
    %get3A_382 = vector.shape_cast %get3A_381 : vector<1x32768xf32> to vector<32768xf32>
    %get3A_383 = arith.constant 21 : index
    %get3A_384 = memref.load %arg3[%get3A_383] : memref<80xf32, #tpu.memory_space<smem>>
    %mul3A_385 = vector.broadcast %get3A_384 : f32 to vector<32768xf32>
    %mul3A_386 = arith.mulf %get3A_382, %mul3A_385 : vector<32768xf32>
    %add3A_387 = arith.addf %add3A_369, %mul3A_386 : vector<32768xf32>
    %get3A_388 = arith.constant 21 : index
    %get3A_389 = arith.constant 0 : index
    %get3A_390 = vector.load %arg2[%get3A_388, %get3A_389] : memref<32x32768xf32, #tpu.memory_space<vmem>>, vector<1x32768xf32>
    %get3A_391 = vector.shape_cast %get3A_390 : vector<1x32768xf32> to vector<32768xf32>
    %get3A_392 = arith.constant 53 : index
    %get3A_393 = memref.load %arg3[%get3A_392] : memref<80xf32, #tpu.memory_space<smem>>
    %mul3A_394 = vector.broadcast %get3A_393 : f32 to vector<32768xf32>
    %mul3A_395 = arith.mulf %get3A_391, %mul3A_394 : vector<32768xf32>
    %add3A_396 = arith.addf %add3A_378, %mul3A_395 : vector<32768xf32>
    %get3A_397 = arith.constant 22 : index
    %get3A_398 = arith.constant 0 : index
    %get3A_399 = vector.load %arg1[%get3A_397, %get3A_398] : memref<32x32768xf32, #tpu.memory_space<vmem>>, vector<1x32768xf32>
    %get3A_400 = vector.shape_cast %get3A_399 : vector<1x32768xf32> to vector<32768xf32>
    %get3A_401 = arith.constant 22 : index
    %get3A_402 = memref.load %arg3[%get3A_401] : memref<80xf32, #tpu.memory_space<smem>>
    %mul3A_403 = vector.broadcast %get3A_402 : f32 to vector<32768xf32>
    %mul3A_404 = arith.mulf %get3A_400, %mul3A_403 : vector<32768xf32>
    %add3A_405 = arith.addf %add3A_387, %mul3A_404 : vector<32768xf32>
    %get3A_406 = arith.constant 22 : index
    %get3A_407 = arith.constant 0 : index
    %get3A_408 = vector.load %arg2[%get3A_406, %get3A_407] : memref<32x32768xf32, #tpu.memory_space<vmem>>, vector<1x32768xf32>
    %get3A_409 = vector.shape_cast %get3A_408 : vector<1x32768xf32> to vector<32768xf32>
    %get3A_410 = arith.constant 54 : index
    %get3A_411 = memref.load %arg3[%get3A_410] : memref<80xf32, #tpu.memory_space<smem>>
    %mul3A_412 = vector.broadcast %get3A_411 : f32 to vector<32768xf32>
    %mul3A_413 = arith.mulf %get3A_409, %mul3A_412 : vector<32768xf32>
    %add3A_414 = arith.addf %add3A_396, %mul3A_413 : vector<32768xf32>
    %get3A_415 = arith.constant 23 : index
    %get3A_416 = arith.constant 0 : index
    %get3A_417 = vector.load %arg1[%get3A_415, %get3A_416] : memref<32x32768xf32, #tpu.memory_space<vmem>>, vector<1x32768xf32>
    %get3A_418 = vector.shape_cast %get3A_417 : vector<1x32768xf32> to vector<32768xf32>
    %get3A_419 = arith.constant 23 : index
    %get3A_420 = memref.load %arg3[%get3A_419] : memref<80xf32, #tpu.memory_space<smem>>
    %mul3A_421 = vector.broadcast %get3A_420 : f32 to vector<32768xf32>
    %mul3A_422 = arith.mulf %get3A_418, %mul3A_421 : vector<32768xf32>
    %add3A_423 = arith.addf %add3A_405, %mul3A_422 : vector<32768xf32>
    %get3A_424 = arith.constant 23 : index
    %get3A_425 = arith.constant 0 : index
    %get3A_426 = vector.load %arg2[%get3A_424, %get3A_425] : memref<32x32768xf32, #tpu.memory_space<vmem>>, vector<1x32768xf32>
    %get3A_427 = vector.shape_cast %get3A_426 : vector<1x32768xf32> to vector<32768xf32>
    %get3A_428 = arith.constant 55 : index
    %get3A_429 = memref.load %arg3[%get3A_428] : memref<80xf32, #tpu.memory_space<smem>>
    %mul3A_430 = vector.broadcast %get3A_429 : f32 to vector<32768xf32>
    %mul3A_431 = arith.mulf %get3A_427, %mul3A_430 : vector<32768xf32>
    %add3A_432 = arith.addf %add3A_414, %mul3A_431 : vector<32768xf32>
    %get3A_433 = arith.constant 24 : index
    %get3A_434 = arith.constant 0 : index
    %get3A_435 = vector.load %arg1[%get3A_433, %get3A_434] : memref<32x32768xf32, #tpu.memory_space<vmem>>, vector<1x32768xf32>
    %get3A_436 = vector.shape_cast %get3A_435 : vector<1x32768xf32> to vector<32768xf32>
    %get3A_437 = arith.constant 24 : index
    %get3A_438 = memref.load %arg3[%get3A_437] : memref<80xf32, #tpu.memory_space<smem>>
    %mul3A_439 = vector.broadcast %get3A_438 : f32 to vector<32768xf32>
    %mul3A_440 = arith.mulf %get3A_436, %mul3A_439 : vector<32768xf32>
    %add3A_441 = arith.addf %add3A_423, %mul3A_440 : vector<32768xf32>
    %get3A_442 = arith.constant 24 : index
    %get3A_443 = arith.constant 0 : index
    %get3A_444 = vector.load %arg2[%get3A_442, %get3A_443] : memref<32x32768xf32, #tpu.memory_space<vmem>>, vector<1x32768xf32>
    %get3A_445 = vector.shape_cast %get3A_444 : vector<1x32768xf32> to vector<32768xf32>
    %get3A_446 = arith.constant 56 : index
    %get3A_447 = memref.load %arg3[%get3A_446] : memref<80xf32, #tpu.memory_space<smem>>
    %mul3A_448 = vector.broadcast %get3A_447 : f32 to vector<32768xf32>
    %mul3A_449 = arith.mulf %get3A_445, %mul3A_448 : vector<32768xf32>
    %add3A_450 = arith.addf %add3A_432, %mul3A_449 : vector<32768xf32>
    %get3A_451 = arith.constant 25 : index
    %get3A_452 = arith.constant 0 : index
    %get3A_453 = vector.load %arg1[%get3A_451, %get3A_452] : memref<32x32768xf32, #tpu.memory_space<vmem>>, vector<1x32768xf32>
    %get3A_454 = vector.shape_cast %get3A_453 : vector<1x32768xf32> to vector<32768xf32>
    %get3A_455 = arith.constant 25 : index
    %get3A_456 = memref.load %arg3[%get3A_455] : memref<80xf32, #tpu.memory_space<smem>>
    %mul3A_457 = vector.broadcast %get3A_456 : f32 to vector<32768xf32>
    %mul3A_458 = arith.mulf %get3A_454, %mul3A_457 : vector<32768xf32>
    %add3A_459 = arith.addf %add3A_441, %mul3A_458 : vector<32768xf32>
    %get3A_460 = arith.constant 25 : index
    %get3A_461 = arith.constant 0 : index
    %get3A_462 = vector.load %arg2[%get3A_460, %get3A_461] : memref<32x32768xf32, #tpu.memory_space<vmem>>, vector<1x32768xf32>
    %get3A_463 = vector.shape_cast %get3A_462 : vector<1x32768xf32> to vector<32768xf32>
    %get3A_464 = arith.constant 57 : index
    %get3A_465 = memref.load %arg3[%get3A_464] : memref<80xf32, #tpu.memory_space<smem>>
    %mul3A_466 = vector.broadcast %get3A_465 : f32 to vector<32768xf32>
    %mul3A_467 = arith.mulf %get3A_463, %mul3A_466 : vector<32768xf32>
    %add3A_468 = arith.addf %add3A_450, %mul3A_467 : vector<32768xf32>
    %get3A_469 = arith.constant 26 : index
    %get3A_470 = arith.constant 0 : index
    %get3A_471 = vector.load %arg1[%get3A_469, %get3A_470] : memref<32x32768xf32, #tpu.memory_space<vmem>>, vector<1x32768xf32>
    %get3A_472 = vector.shape_cast %get3A_471 : vector<1x32768xf32> to vector<32768xf32>
    %get3A_473 = arith.constant 26 : index
    %get3A_474 = memref.load %arg3[%get3A_473] : memref<80xf32, #tpu.memory_space<smem>>
    %mul3A_475 = vector.broadcast %get3A_474 : f32 to vector<32768xf32>
    %mul3A_476 = arith.mulf %get3A_472, %mul3A_475 : vector<32768xf32>
    %add3A_477 = arith.addf %add3A_459, %mul3A_476 : vector<32768xf32>
    %get3A_478 = arith.constant 26 : index
    %get3A_479 = arith.constant 0 : index
    %get3A_480 = vector.load %arg2[%get3A_478, %get3A_479] : memref<32x32768xf32, #tpu.memory_space<vmem>>, vector<1x32768xf32>
    %get3A_481 = vector.shape_cast %get3A_480 : vector<1x32768xf32> to vector<32768xf32>
    %get3A_482 = arith.constant 58 : index
    %get3A_483 = memref.load %arg3[%get3A_482] : memref<80xf32, #tpu.memory_space<smem>>
    %mul3A_484 = vector.broadcast %get3A_483 : f32 to vector<32768xf32>
    %mul3A_485 = arith.mulf %get3A_481, %mul3A_484 : vector<32768xf32>
    %add3A_486 = arith.addf %add3A_468, %mul3A_485 : vector<32768xf32>
    %get3A_487 = arith.constant 27 : index
    %get3A_488 = arith.constant 0 : index
    %get3A_489 = vector.load %arg1[%get3A_487, %get3A_488] : memref<32x32768xf32, #tpu.memory_space<vmem>>, vector<1x32768xf32>
    %get3A_490 = vector.shape_cast %get3A_489 : vector<1x32768xf32> to vector<32768xf32>
    %get3A_491 = arith.constant 27 : index
    %get3A_492 = memref.load %arg3[%get3A_491] : memref<80xf32, #tpu.memory_space<smem>>
    %mul3A_493 = vector.broadcast %get3A_492 : f32 to vector<32768xf32>
    %mul3A_494 = arith.mulf %get3A_490, %mul3A_493 : vector<32768xf32>
    %add3A_495 = arith.addf %add3A_477, %mul3A_494 : vector<32768xf32>
    %get3A_496 = arith.constant 27 : index
    %get3A_497 = arith.constant 0 : index
    %get3A_498 = vector.load %arg2[%get3A_496, %get3A_497] : memref<32x32768xf32, #tpu.memory_space<vmem>>, vector<1x32768xf32>
    %get3A_499 = vector.shape_cast %get3A_498 : vector<1x32768xf32> to vector<32768xf32>
    %get3A_500 = arith.constant 59 : index
    %get3A_501 = memref.load %arg3[%get3A_500] : memref<80xf32, #tpu.memory_space<smem>>
    %mul3A_502 = vector.broadcast %get3A_501 : f32 to vector<32768xf32>
    %mul3A_503 = arith.mulf %get3A_499, %mul3A_502 : vector<32768xf32>
    %add3A_504 = arith.addf %add3A_486, %mul3A_503 : vector<32768xf32>
    %get3A_505 = arith.constant 28 : index
    %get3A_506 = arith.constant 0 : index
    %get3A_507 = vector.load %arg1[%get3A_505, %get3A_506] : memref<32x32768xf32, #tpu.memory_space<vmem>>, vector<1x32768xf32>
    %get3A_508 = vector.shape_cast %get3A_507 : vector<1x32768xf32> to vector<32768xf32>
    %get3A_509 = arith.constant 28 : index
    %get3A_510 = memref.load %arg3[%get3A_509] : memref<80xf32, #tpu.memory_space<smem>>
    %mul3A_511 = vector.broadcast %get3A_510 : f32 to vector<32768xf32>
    %mul3A_512 = arith.mulf %get3A_508, %mul3A_511 : vector<32768xf32>
    %add3A_513 = arith.addf %add3A_495, %mul3A_512 : vector<32768xf32>
    %get3A_514 = arith.constant 28 : index
    %get3A_515 = arith.constant 0 : index
    %get3A_516 = vector.load %arg2[%get3A_514, %get3A_515] : memref<32x32768xf32, #tpu.memory_space<vmem>>, vector<1x32768xf32>
    %get3A_517 = vector.shape_cast %get3A_516 : vector<1x32768xf32> to vector<32768xf32>
    %get3A_518 = arith.constant 60 : index
    %get3A_519 = memref.load %arg3[%get3A_518] : memref<80xf32, #tpu.memory_space<smem>>
    %mul3A_520 = vector.broadcast %get3A_519 : f32 to vector<32768xf32>
    %mul3A_521 = arith.mulf %get3A_517, %mul3A_520 : vector<32768xf32>
    %add3A_522 = arith.addf %add3A_504, %mul3A_521 : vector<32768xf32>
    %get3A_523 = arith.constant 29 : index
    %get3A_524 = arith.constant 0 : index
    %get3A_525 = vector.load %arg1[%get3A_523, %get3A_524] : memref<32x32768xf32, #tpu.memory_space<vmem>>, vector<1x32768xf32>
    %get3A_526 = vector.shape_cast %get3A_525 : vector<1x32768xf32> to vector<32768xf32>
    %get3A_527 = arith.constant 29 : index
    %get3A_528 = memref.load %arg3[%get3A_527] : memref<80xf32, #tpu.memory_space<smem>>
    %mul3A_529 = vector.broadcast %get3A_528 : f32 to vector<32768xf32>
    %mul3A_530 = arith.mulf %get3A_526, %mul3A_529 : vector<32768xf32>
    %add3A_531 = arith.addf %add3A_513, %mul3A_530 : vector<32768xf32>
    %get3A_532 = arith.constant 29 : index
    %get3A_533 = arith.constant 0 : index
    %get3A_534 = vector.load %arg2[%get3A_532, %get3A_533] : memref<32x32768xf32, #tpu.memory_space<vmem>>, vector<1x32768xf32>
    %get3A_535 = vector.shape_cast %get3A_534 : vector<1x32768xf32> to vector<32768xf32>
    %get3A_536 = arith.constant 61 : index
    %get3A_537 = memref.load %arg3[%get3A_536] : memref<80xf32, #tpu.memory_space<smem>>
    %mul3A_538 = vector.broadcast %get3A_537 : f32 to vector<32768xf32>
    %mul3A_539 = arith.mulf %get3A_535, %mul3A_538 : vector<32768xf32>
    %add3A_540 = arith.addf %add3A_522, %mul3A_539 : vector<32768xf32>
    %get3A_541 = arith.constant 30 : index
    %get3A_542 = arith.constant 0 : index
    %get3A_543 = vector.load %arg1[%get3A_541, %get3A_542] : memref<32x32768xf32, #tpu.memory_space<vmem>>, vector<1x32768xf32>
    %get3A_544 = vector.shape_cast %get3A_543 : vector<1x32768xf32> to vector<32768xf32>
    %get3A_545 = arith.constant 30 : index
    %get3A_546 = memref.load %arg3[%get3A_545] : memref<80xf32, #tpu.memory_space<smem>>
    %mul3A_547 = vector.broadcast %get3A_546 : f32 to vector<32768xf32>
    %mul3A_548 = arith.mulf %get3A_544, %mul3A_547 : vector<32768xf32>
    %add3A_549 = arith.addf %add3A_531, %mul3A_548 : vector<32768xf32>
    %get3A_550 = arith.constant 30 : index
    %get3A_551 = arith.constant 0 : index
    %get3A_552 = vector.load %arg2[%get3A_550, %get3A_551] : memref<32x32768xf32, #tpu.memory_space<vmem>>, vector<1x32768xf32>
    %get3A_553 = vector.shape_cast %get3A_552 : vector<1x32768xf32> to vector<32768xf32>
    %get3A_554 = arith.constant 62 : index
    %get3A_555 = memref.load %arg3[%get3A_554] : memref<80xf32, #tpu.memory_space<smem>>
    %mul3A_556 = vector.broadcast %get3A_555 : f32 to vector<32768xf32>
    %mul3A_557 = arith.mulf %get3A_553, %mul3A_556 : vector<32768xf32>
    %add3A_558 = arith.addf %add3A_540, %mul3A_557 : vector<32768xf32>
    %get3A_559 = arith.constant 31 : index
    %get3A_560 = arith.constant 0 : index
    %get3A_561 = vector.load %arg1[%get3A_559, %get3A_560] : memref<32x32768xf32, #tpu.memory_space<vmem>>, vector<1x32768xf32>
    %get3A_562 = vector.shape_cast %get3A_561 : vector<1x32768xf32> to vector<32768xf32>
    %get3A_563 = arith.constant 31 : index
    %get3A_564 = memref.load %arg3[%get3A_563] : memref<80xf32, #tpu.memory_space<smem>>
    %mul3A_565 = vector.broadcast %get3A_564 : f32 to vector<32768xf32>
    %mul3A_566 = arith.mulf %get3A_562, %mul3A_565 : vector<32768xf32>
    %add3A_567 = arith.addf %add3A_549, %mul3A_566 : vector<32768xf32>
    %get3A_568 = arith.constant 31 : index
    %get3A_569 = arith.constant 0 : index
    %get3A_570 = vector.load %arg2[%get3A_568, %get3A_569] : memref<32x32768xf32, #tpu.memory_space<vmem>>, vector<1x32768xf32>
    %get3A_571 = vector.shape_cast %get3A_570 : vector<1x32768xf32> to vector<32768xf32>
    %get3A_572 = arith.constant 63 : index
    %get3A_573 = memref.load %arg3[%get3A_572] : memref<80xf32, #tpu.memory_space<smem>>
    %mul3A_574 = vector.broadcast %get3A_573 : f32 to vector<32768xf32>
    %mul3A_575 = arith.mulf %get3A_571, %mul3A_574 : vector<32768xf32>
    %add3A_576 = arith.addf %add3A_558, %mul3A_575 : vector<32768xf32>
    %swap3A = arith.constant 0 : index
    %swap3A_577 = vector.load %arg4[%swap3A] : memref<32768xf32, #tpu.memory_space<vmem>>, vector<32768xf32>
    tpu.vector_store %arg4[%swap3A], %add3A_567 {strides = array<i32>} : memref<32768xf32, #tpu.memory_space<vmem>>, vector<32768xf32>,
    %swap3A_578 = arith.constant 0 : index
    %swap3A_579 = vector.load %arg5[%swap3A_578] : memref<32768xf32, #tpu.memory_space<vmem>>, vector<32768xf32>
    tpu.vector_store %arg5[%swap3A_578], %add3A_576 {strides = array<i32>} : memref<32768xf32, #tpu.memory_space<vmem>>, vector<32768xf32>,
    return
  }
  func.func @transform_0(%arg0: i32) -> (i32, i32) {
    %c0_i32 = arith.constant 0 : i32
    %c0_i32_0 = arith.constant 0 : i32
    return %c0_i32, %arg0 : i32, i32
  }
  func.func @transform_1(%arg0: i32) -> (i32, i32) {
    %c0_i32 = arith.constant 0 : i32
    %c0_i32_0 = arith.constant 0 : i32
    return %c0_i32, %arg0 : i32, i32
  }
  func.func @transform_2(%arg0: i32) -> i32 {
    %c0_i32 = arith.constant 0 : i32
    %c0_i32_0 = arith.constant 0 : i32
    return %c0_i32 : i32
  }
  func.func @transform_3(%arg0: i32) -> i32 {
    %c0_i32 = arith.constant 0 : i32
    return %arg0 : i32
  }
  func.func @transform_4(%arg0: i32) -> i32 {
    %c0_i32 = arith.constant 0 : i32
    return %arg0 : i32
  }
}

</mosaic_0001>

<sc_bundles>
// kernel: kernel.4.cloned.1.call-start
scs
__scs_entry_jumppad:
0x0: {  	(pc) =	sbr.rel $0x88, $3  }
0x1: {  	(tag) =	ssettag $0x0;
	lr =	simm.s32 $0x1  }
0x2: {  	[smem:$0x3F9B] =	sst lr;
	_ =	strace $0xD0000000  }
0x3: {  	_ = 	snop  }
0x4: {  	_ = 	snop  }
0x5: {  	_ = 	snop  }
0x6: {  	_ = 	snop  }
0x7: {  	_ = 	snop  }
__scs_overlays_trampoline_lowered:
0x8: {  	[smem:$0x3FAA] =	sst s0  }
0x9: {  	[smem:$0x3FAB] =	sst s1  }
0xa: {  	[smem:$0x3FAC] =	sst s2  }
0xb: {  	[smem:$0x3FAD] =	sst s3  }
0xc: {  	[smem:$0x3FAE] =	sst s4  }
0xd: {  	[smem:$0x3FAF] =	sst s5  }
0xe: {  	[smem:$0x3FB0] =	sst s6  }
0xf: {  	[smem:$0x3FB1] =	sst s7  }
0x10: {  	[smem:$0x3FB2] =	sst s8  }
0x11: {  	[smem:$0x3FB3] =	sst s9;
	s0 =	simm.s32 @!p0 $0x0  }
0x12: {  	s1 =	sld [smem:$0x3F99];
	s0 =	simm.s32 @p0 $0x1  }
0x13: {  	[smem:$0x3FB4] =	sst s0;
	s0 =	simm.s32 @!p1 $0x0  }
0x14: {  	s2 =	sld [smem:$0x3F98];
	s0 =	simm.s32 @p1 $0x1  }
0x15: {  	[smem:$0x3FB5] =	sst s0;
	s0 =	simm.s32 @!p2 $0x0  }
0x16: {  	s3 =	sld [smem:$0x3FDB];
	s0 =	simm.s32 @p2 $0x1  }
0x17: {  	s4 =	simm.s32 $0x1BF5;
	[smem:$0x3FB7] =	sst s0  }
0x18: {  	s0 =	sld [smem:$0x3F9A];
	_ =	swait.ge [sflag:s4], $0x0  }
0x19: {  	s7 =	sld [smem:$0x3F9B]  }
0x1a: {  	s8 =	sadd.s32 $0xFFFFE003, lr  }
0x1b: {  	s9 =	sadd.s32 $0xFFFFFEF7, lr;
	s5 =	simm.s32 $0xFFFFFFFF;
	p2 =	slt.u32 s8, $0xFFFFF086  }
0x1c: {  	p1 =	slt.u32 s9, $0xF7A;
	s5 =	simm.s32 @!p2 $0x0  }
0x1d: {  	s5 =	simm.s32 @p1 $0x1;
	p0 =	seq.s32 s7, s2  }
0x1e: {  	s7 =	smul.u32 @!p0 $0xF7A, s2;
	p2 =	seq.s32 @!p0 s5, $0x0  }
0x1f: {  	s9 =	smul.u32 $0xF7A, s1;
	s8 =	simm.s32 @!p0 $0x1BF5;
	p2 =	por !p2, p0  }
0x20: {  	[sflag:s8] =	ssyncset.s32 @!p0 $0xFFFFF086;
	s6 =	sadd.s32 @!p0 s3, s7;
	s7 =	simm.s32 @!p0 $0x108  }
0x21: {  	s3 =	sadd.s32 s3, s9;
	s6 =	sadd.s32 @!p0 $0x88, s6;
	s7 =	simm.s32 @p2 $0x1082  }
0x22: {  	[simem:s7], [sflag:s8] =	dma.local @!p0 [hbm:s6], $0xF7A  }
0x23: {  	s9 =	sor.u32 $0xD0000000, s2;
	s6 =	simm.s32 $0x108;
	_ =	swait.ge @!p0 [sflag:s8], $0x0  }
0x24: {  	s3 =	sadd.s32 $0x88, s3;
	s6 =	simm.s32 @!p1 $0x1082;
	[sflag:s4] =	ssyncset.s32 $0xFFFFF086  }
0x25: {  	[simem:s6], [sflag:s4] =	dma.local [hbm:s3], $0xF7A  }
0x26: {  	[smem:$0x3F9B] =	sst s1;
	(tag) =	ssettag s2;
	_ =	strace s9  }
0x27: {  	s1 =	sld [smem:$0x3FAB]  }
0x28: {  	s2 =	sld [smem:$0x3FAC]  }
0x29: {  	s4 =	sld [smem:$0x3FAE]  }
0x2a: {  	p0 =	seq.s32 s5, $0x0;
	s5 =	sld [smem:$0x3FAF]  }
0x2b: {  	s6 =	sld [smem:$0x3FB0]  }
0x2c: {  	s7 =	sld [smem:$0x3FB1]  }
0x2d: {  	s3 =	simm.s32 $0x108;
	s8 =	sld [smem:$0x3FB2]  }
0x2e: {  	s3 =	simm.s32 @!p0 $0x1082;
	s9 =	sld [smem:$0x3FB3]  }
0x2f: {  	lr =	sadd.s32 s0, s3;
	s0 =	sld [smem:$0x3FAA]  }
0x30: {  	s3 =	sld [smem:$0x3FAD]  }
0x31: {  	[smem:$0x3FB6] =	sst s10  }
0x32: {  	s10 =	sld [smem:$0x3FB4];
	_ =	sdelay $0x3  }
0x33: {  	p0 =	seq.s32 s10, $0x1;
	s10 =	sld [smem:$0x3FB6];
	_ =	sdelay $0x3  }
0x34: {  	[smem:$0x3FB6] =	sst s10  }
0x35: {  	s10 =	sld [smem:$0x3FB5];
	_ =	sdelay $0x3  }
0x36: {  	p1 =	seq.s32 s10, $0x1;
	s10 =	sld [smem:$0x3FB6];
	_ =	sdelay $0x3  }
0x37: {  	[smem:$0x3FB6] =	sst s10  }
0x38: {  	s10 =	sld [smem:$0x3FB7]  }
0x39: {  	_ = 	snop;
	(pc) =	sbr.ind lr, $3  }
0x3a: {  	_ = 	snop  }
0x3b: {  	_ = 	snop  }
0x3c: {  	p2 =	seq.s32 s10, $0x1;
	s10 =	sld [smem:$0x3FB6]  }
0x3d: {  	_ =	shalt  }
0x3e: {  	_ =	shalt  }
0x3f: {  	_ =	shalt  }
0x40: {  	_ =	shalt  }
0x41: {  	_ =	shalt  }
0x42: {  	_ =	shalt  }
0x43: {  	_ =	shalt  }
0x44: {  	_ =	shalt  }
0x45: {  	_ =	shalt  }
0x46: {  	_ =	shalt  }
0x47: {  	_ =	shalt  }
0x48: {  	_ =	shalt  }
0x49: {  	_ =	shalt  }
0x4a: {  	_ =	shalt  }
0x4b: {  	_ =	shalt  }
0x4c: {  	_ =	shalt  }
0x4d: {  	_ =	shalt  }
0x4e: {  	_ =	shalt  }
0x4f: {  	_ =	shalt  }
0x50: {  	_ =	shalt  }
0x51: {  	_ =	shalt  }
0x52: {  	_ =	shalt  }
0x53: {  	_ =	shalt  }
0x54: {  	_ =	shalt  }
0x55: {  	_ =	shalt  }
0x56: {  	_ =	shalt  }
0x57: {  	_ =	shalt  }
0x58: {  	_ =	shalt  }
0x59: {  	_ =	shalt  }
0x5a: {  	_ =	shalt  }
0x5b: {  	_ =	shalt  }
0x5c: {  	_ =	shalt  }
0x5d: {  	_ =	shalt  }
0x5e: {  	_ =	shalt  }
0x5f: {  	_ =	shalt  }
0x60: {  	_ =	shalt  }
0x61: {  	_ =	shalt  }
0x62: {  	_ =	shalt  }
0x63: {  	_ =	shalt  }
0x64: {  	_ =	shalt  }
0x65: {  	_ =	shalt  }
0x66: {  	_ =	shalt  }
0x67: {  	_ =	shalt  }
0x68: {  	_ =	shalt  }
0x69: {  	_ =	shalt  }
0x6a: {  	_ =	shalt  }
0x6b: {  	_ =	shalt  }
0x6c: {  	_ =	shalt  }
0x6d: {  	_ =	shalt  }
0x6e: {  	_ =	shalt  }
0x6f: {  	_ =	shalt  }
0x70: {  	_ =	shalt  }
0x71: {  	_ =	shalt  }
0x72: {  	_ =	shalt  }
0x73: {  	_ =	shalt  }
0x74: {  	_ =	shalt  }
0x75: {  	_ =	shalt  }
0x76: {  	_ =	shalt  }
0x77: {  	_ =	shalt  }
0x78: {  	_ =	shalt  }
0x79: {  	_ =	shalt  }
0x7a: {  	_ =	shalt  }
0x7b: {  	_ =	shalt  }
0x7c: {  	_ =	shalt  }
0x7d: {  	_ =	shalt  }
0x7e: {  	_ =	shalt  }
0x7f: {  	_ =	shalt  }
0x80: {  	_ =	shalt  }
0x81: {  	_ =	shalt  }
0x82: {  	_ =	shalt  }
0x83: {  	_ =	shalt  }
0x84: {  	_ =	shalt  }
0x85: {  	_ =	shalt  }
0x86: {  	_ =	shalt  }
0x87: {  	_ =	shalt  }
.Lfunc_end0:
.L_simem_size_0:
called_computation_lowered:
.L_overlay_start_0:
0x88: {  	s2 =	sld [smem:$0x3FD9]  }
0x89: {  	s3 =	sld [smem:$0x3FFE];
	_ =	sdelay $0x1  }
0x8a: {  	s1 =	srdreg.scid  }
0x8b: {  	s0 =	sand.u32 $0x1, s1  }
0x8c: {  	s17 =	sshll.u32 s0, $0xA;
	s2 =	sadd.s32 s3, s2  }
0x8d: {  	s2 =	sadd.s32 s2, s17  }
0x8e: {  	[smem:$0x3FC2] =	sst s2  }
0x8f: {  	_ = 	snop  }
0x90: {  	s2 =	sld [smem:$0x3FC9]  }
0x91: {  	s18 =	sld [smem:$0x3FC8]  }
0x92: {  	s4 =	sld [smem:$0x3FD0];
	(tm) =	ssettm $0x1  }
0x93: {  	s5 =	sld [smem:$0x3FFB];
	_ =	sdelay $0x3  }
0x94: {  	_ =	strace s5  }
0x95: {  	s5 =	sld [smem:$0x3FFC];
	_ =	sdelay $0x3  }
0x96: {  	_ =	strace s5  }
0x97: {  	s5 =	sld [smem:$0x3FFD];
	_ =	sdelay $0x3  }
0x98: {  	_ =	strace s5  }
0x99: {  	_ =	strace $0x8FFFFFFF  }
0x9a: {  	s19 =	sld [smem:$0x3FDB];
	_ =	sdelay $0x1  }
0x9b: {  	s6 =	simm.s32 $_scs_section_size  }
0x9c: {  	s7 =	simm.s32 $_size__tile_overlayer_lowered;
	s8 =	simm.s32 $_tile_overlayer_lowered  }
0x9d: {  	s22 =	simm.s32 $0x1BFF;
	s21 =	sshll.u32 s8, $0x1;
	s5 =	sadd.s32 s6, s19  }
0x9e: {  	s9 =	simm.s32 $0x0;
	s20 =	sshll.u32 s7, $0x1;
	s7 =	sadd.s32 s21, s5  }
0x9f: {  	[timem:s9], [sflag:s22] =	dma.local [hbm:s7], s20  }
0xa0: {  	_ =	swait.ge [sflag:s22], s20  }
0xa1: {  	s6 =	ssub.s32 $0x0, s20;
	[sflag:s22] =	ssyncset.done $0x0  }
0xa2: {  	[sflag:s22] =	ssyncadd.s32 s6;
	_ =	sdelay $0x1  }
0xa3: {  	s23 =	simm.s32 $0x1B8B  }
0xa4: {  	_ =	swait.ge [sflag:s23], $0x1  }
0xa5: {  	[sflag:s23] =	ssyncset.done $0x0  }
0xa6: {  	s25 =	simm.s32 $0x1B8E;
	s24 =	sld [smem:$0x3FFE];
	[sflag:s23] =	ssyncadd.s32 $0xFFFFFFFF  }
0xa7: {  	s26 =	simm.s32 $execute0_lowered;
	[smem:$0x3FD2] =	sst s25  }
0xa8: {  	s7 =	sshll.u32 s26, $0x1;
	_ =	strace $0x80000046;
	[dreg:$0x1] =	wrdreg $0xFFFFFFFF  }
0xa9: {  	s28 =	simm.s32 $_size_execute0_lowered;
	s5 =	sadd.s32 s5, s7;
	[dreg:$0x0] =	wrdreg $0x0  }
0xaa: {  	s7 =	sshll.u32 s28, $0x1;
	[dreg:$0x2] =	wrdreg s5  }
0xab: {  	[dreg:$0x3] =	wrdreg s7  }
0xac: {  	[dreg:$0x4] =	wrdreg $0xC0  }
0xad: {  	_ =	task [dreg:s9], $0x5FFFF  }
0xae: {  	[dreg:$0x1] =	wrdreg $0xFFFFFFFF  }
0xaf: {  	[dreg:$0x0] =	wrdreg $0x60  }
0xb0: {  	[dreg:$0x2] =	wrdreg s2  }
0xb1: {  	[dreg:$0x3] =	wrdreg s18  }
0xb2: {  	[dreg:$0x4] =	wrdreg s24  }
0xb3: {  	[dreg:$0x5] =	wrdreg s4  }
0xb4: {  	[dreg:$0x6] =	wrdreg $0x9  }
0xb5: {  	_ =	task.clear_ibuf [dreg:s9], $0x7FFFF;
	_ =	strace $0x90000046  }
0xb6: {  	s29 =	simm.s32 $0x9;
	_ =	strace $0x80000048  }
0xb7: {  	_ =	swait.ge [sflag:s29], $0x1  }
0xb8: {  	[sflag:s29] =	ssyncadd.s32 $0xFFFFFFFF  }
0xb9: {  	_ =	strace $0x90000048  }
0xba: {  	_ =	sfence  }
0xbb: {  	s30 =	sld [smem:$0x0];
	_ =	sdelay $0x2  }
0xbc: {  	s31 =	sshll.u32 s1, $0xD;
	s1 =	sshrl.u32 s1, $0x2  }
0xbd: {  	s3 =	sand.u32 $0x4000, s31;
	s1 =	sadd.s32 s1, s30  }
0xbe: {  	s0 =	sor.u32 s3, s0;
	s1 =	sshll.u32 s1, $0x11  }
0xbf: {  	s0 =	sor.u32 s1, s0  }
0xc0: {  	s0 =	sadd.s32 $0x8F2B, s0  }
0xc1: {  	[sflag:s0] =	ssyncadd.remote.s32 $0x1  }
0xc2: {  	_ =	sfence.sel $0xFFFF  }
0xc3: {  	[dreg:$0x0] =	wrdreg $0xFFFFFFFF;
	(pc) =	sbr.abs _section_cstart, $3  }
0xc4: {  	[dreg:$0x1] =	wrdreg $0xFFFFFFFF  }
0xc5: {  	_ =	task.clear_ibuf [dreg:s9], $0x2FFFF;
	_ =	strace $0x9FFFFFFF  }
0xc6: {  	(tm) =	ssettm $0x7FFFFFFF  }
0xc7: {  	_ =	shalt  }
tec
execute0_lowered:
.L_overlay_start_1:
0x0: {  	(tag) =	ssettag $0x1  }
0x1: {  	s5 =	rddreg [dreg:$0x0]  }
0x2: {  	s6 =	rddreg [dreg:$0x1]  }
0x3: {  	s4 =	rddreg [dreg:$0x2]  }
0x4: {  	s7 =	rddreg [dreg:$0x3]  }
0x5: {  	s0 =	rddreg [dreg:$0x4];
	s1 =	simm.s32 $0x0  }
0x6: {  	s8 =	srdreg.scid;
	s2 =	stileid.u32;
	s12 =	simm.s32 $0x600  }
0x7: {  	s13 =	simm.s32 $0x1;
	s14 =	simm.s32 $0x2;
	s15 =	simm.s32 $0x800  }
0x8: {  	[smem:$0x7FF] =	sst s1;
	s3 =	sadd.s32 $0xA00, s4;
	s8 =	sand.u32 $0x1, s8  }
0x9: {  	s10 =	sshll.u32 s2, $0x7;
	s4 =	sadd.s32 $0x1F400, s4;
	s9 =	ssub.s32 $0x2, s8  }
0xa: {  	_ =	strace $0x80000047;
	s8 =	sshll.u32 s8, $0x6;
	s11 =	sshrl.u32 s9, $0x1  }
0xb: {  	s8 =	sor.u32 s8, s10;
	s10 =	simm.s32 $0x200;
	s9 =	ssub.s32 s9, s11  }
0xc: {  	s5 =	sadd.s32 s5, s8;
	s6 =	sadd.s32 s6, s8;
	s7 =	sadd.s32 s7, s8  }
0xd: {  	s11 =	simm.s32 $0x400;
	s8 =	smax.u32 s9, $0x1;
	s9 =	simm.s32 $0x3  }
.LBB2_1:
0xe: {  	[tilespmem:s1], [sflag:$0x3] =	stream.linear.gather [hbm4b:s5+s1], $0x200, $0x38;
	[tilespmem:$0xA00] =	vst v63  }
0xf: {  	_ =	swait.ge [sflag:s9], $0x200  }
0x10: {  	[sflag:s9] =	ssyncset.done $0x0  }
0x11: {  	[sflag:s9] =	ssyncadd.s32 $0xFFFFFE00  }
0x12: {  	[tilespmem:s10], [sflag:$0x3] =	stream.linear.gather [hbm4b:s6+s1], $0x200, $0x38;
	[tilespmem:$0xA00] =	vst v63  }
0x13: {  	_ =	swait.ge [sflag:s9], $0x200  }
0x14: {  	[sflag:s9] =	ssyncset.done $0x0  }
0x15: {  	[sflag:s9] =	ssyncadd.s32 $0xFFFFFE00  }
0x16: {  	[tilespmem:s11], [sflag:$0x1] =	stream.indirect.gather [hbm4b:s3+s10], $0x1, s1, s10, $0xb8;
	[tilespmem:$0xA00] =	vst v63  }
0x17: {  	_ = 	snop  }
0x18: {  	[tilespmem:s12], [sflag:$0x2] =	stream.indirect.gather [hbm4b:s4+s10], $0x1, s10, s10, $0xb8;
	[tilespmem:$0xA00] =	vst v63  }
0x19: {  	_ =	swait.ge [sflag:s13], $0x200  }
0x1a: {  	[sflag:s13] =	ssyncset.done $0x0  }
0x1b: {  	[sflag:s13] =	ssyncadd.s32 $0xFFFFFE00  }
0x1c: {  	_ =	swait.ge [sflag:s14], $0x200  }
0x1d: {  	[sflag:s14] =	ssyncset.done $0x0  }
0x1e: {  	[sflag:s14] =	ssyncadd.s32 $0xFFFFFE00  }
0x1f: {  	v0 =	vld [tilespmem:$0x400]  }
0x20: {  	v1 =	vld [tilespmem:$0x600]  }
0x21: {  	v2 =	vld [tilespmem:$0x410]  }
0x22: {  	v3 =	vld [tilespmem:$0x610]  }
0x23: {  	v4 =	vld [tilespmem:$0x420]  }
0x24: {  	v5 =	vld [tilespmem:$0x620]  }
0x25: {  	v6 =	vld [tilespmem:$0x430]  }
0x26: {  	v7 =	vld [tilespmem:$0x630]  }
0x27: {  	v8 =	vld [tilespmem:$0x440]  }
0x28: {  	v9 =	vld [tilespmem:$0x640]  }
0x29: {  	v10 =	vld [tilespmem:$0x450]  }
0x2a: {  	v11 =	vld [tilespmem:$0x650]  }
0x2b: {  	v12 =	vld [tilespmem:$0x460]  }
0x2c: {  	v13 =	vld [tilespmem:$0x660]  }
0x2d: {  	v14 =	vld [tilespmem:$0x470]  }
0x2e: {  	v15 =	vld [tilespmem:$0x670]  }
0x2f: {  	v16 =	vld [tilespmem:$0x480]  }
0x30: {  	v17 =	vld [tilespmem:$0x680]  }
0x31: {  	v18 =	vld [tilespmem:$0x490]  }
0x32: {  	v19 =	vld [tilespmem:$0x690]  }
0x33: {  	v20 =	vld [tilespmem:$0x4A0]  }
0x34: {  	v21 =	vld [tilespmem:$0x6A0]  }
0x35: {  	v22 =	vld [tilespmem:$0x4B0]  }
0x36: {  	v23 =	vld [tilespmem:$0x6B0]  }
0x37: {  	v24 =	vld [tilespmem:$0x4C0]  }
0x38: {  	v25 =	vld [tilespmem:$0x6C0]  }
0x39: {  	v26 =	vld [tilespmem:$0x4D0]  }
0x3a: {  	v27 =	vld [tilespmem:$0x6D0]  }
0x3b: {  	v28 =	vld [tilespmem:$0x4E0]  }
0x3c: {  	v29 =	vld [tilespmem:$0x6E0]  }
0x3d: {  	v30 =	vld [tilespmem:$0x4F0]  }
0x3e: {  	v31 =	vld [tilespmem:$0x6F0]  }
0x3f: {  	v32 =	vld [tilespmem:$0x500]  }
0x40: {  	v33 =	vld [tilespmem:$0x700]  }
0x41: {  	v34 =	vld [tilespmem:$0x510]  }
0x42: {  	v35 =	vld [tilespmem:$0x710]  }
0x43: {  	v36 =	vld [tilespmem:$0x520]  }
0x44: {  	v46 =	vld [tilespmem:$0x720];
	v0 =	vadd.f32 v1, v0  }
0x45: {  	v47 =	vld [tilespmem:$0x530];
	v2 =	vadd.f32 v3, v2  }
0x46: {  	v49 =	vld [tilespmem:$0x730];
	v48 =	vadd.f32 v5, v4;
	[tilespmem:$0x800] =	vst v0  }
0x47: {  	v51 =	vld [tilespmem:$0x540];
	v50 =	vadd.f32 v7, v6;
	[tilespmem:$0x810] =	vst v2  }
0x48: {  	v53 =	vld [tilespmem:$0x740];
	v52 =	vadd.f32 v9, v8;
	[tilespmem:$0x820] =	vst v48  }
0x49: {  	v55 =	vld [tilespmem:$0x550];
	v54 =	vadd.f32 v11, v10;
	[tilespmem:$0x830] =	vst v50  }
0x4a: {  	v57 =	vld [tilespmem:$0x750];
	v56 =	vadd.f32 v13, v12;
	[tilespmem:$0x840] =	vst v52  }
0x4b: {  	v59 =	vld [tilespmem:$0x560];
	v58 =	vadd.f32 v15, v14;
	[tilespmem:$0x850] =	vst v54  }
0x4c: {  	v61 =	vld [tilespmem:$0x760];
	v60 =	vadd.f32 v17, v16;
	[tilespmem:$0x860] =	vst v56  }
0x4d: {  	v63 =	vld [tilespmem:$0x570];
	v62 =	vadd.f32 v19, v18;
	[tilespmem:$0x870] =	vst v58  }
0x4e: {  	v37 =	vld [tilespmem:$0x5A0];
	v20 =	vadd.f32 v21, v20;
	[tilespmem:$0x880] =	vst v60  }
0x4f: {  	v39 =	vld [tilespmem:$0x7A0];
	v22 =	vadd.f32 v23, v22;
	[tilespmem:$0x890] =	vst v62  }
0x50: {  	v41 =	vld [tilespmem:$0x5B0];
	v24 =	vadd.f32 v25, v24;
	[tilespmem:$0x8A0] =	vst v20  }
0x51: {  	v43 =	vld [tilespmem:$0x7B0];
	v26 =	vadd.f32 v27, v26;
	[tilespmem:$0x8B0] =	vst v22  }
0x52: {  	v45 =	vld [tilespmem:$0x5C0];
	v28 =	vadd.f32 v29, v28;
	[tilespmem:$0x8C0] =	vst v24  }
0x53: {  	v21 =	vld [tilespmem:$0x770];
	v31 =	vadd.f32 v31, v30;
	[tilespmem:$0x8D0] =	vst v26  }
0x54: {  	v23 =	vld [tilespmem:$0x580];
	v38 =	vadd.f32 v33, v32;
	[tilespmem:$0x8E0] =	vst v28  }
0x55: {  	v25 =	vld [tilespmem:$0x780];
	v40 =	vadd.f32 v35, v34;
	[tilespmem:$0x8F0] =	vst v31  }
0x56: {  	v27 =	vld [tilespmem:$0x590];
	v42 =	vadd.f32 v46, v36;
	[tilespmem:$0x900] =	vst v38  }
0x57: {  	v29 =	vld [tilespmem:$0x790];
	v44 =	vadd.f32 v49, v47;
	[tilespmem:$0x910] =	vst v40  }
0x58: {  	v46 =	vadd.f32 v53, v51;
	v47 =	vld [tilespmem:$0x7C0];
	[tilespmem:$0x920] =	vst v42  }
0x59: {  	v49 =	vld [tilespmem:$0x5D0];
	v1 =	vadd.f32 v43, v41;
	[tilespmem:$0x930] =	vst v44  }
0x5a: {  	v51 =	vld [tilespmem:$0x7D0];
	v48 =	vadd.f32 v57, v55;
	[tilespmem:$0x940] =	vst v46  }
0x5b: {  	v53 =	vld [tilespmem:$0x5E0];
	v50 =	vadd.f32 v61, v59;
	[tilespmem:$0x9B0] =	vst v1  }
0x5c: {  	v55 =	vld [tilespmem:$0x7E0];
	v58 =	vadd.f32 v39, v37;
	[tilespmem:$0x950] =	vst v48  }
0x5d: {  	v57 =	vld [tilespmem:$0x5F0];
	[tilespmem:$0x960] =	vst v50;
	v52 =	vadd.f32 v21, v63  }
0x5e: {  	v59 =	vld [tilespmem:$0x7F0];
	[tilespmem:$0x9A0] =	vst v58;
	v54 =	vadd.f32 v25, v23  }
0x5f: {  	v56 =	vadd.f32 v29, v27;
	[tilespmem:$0x970] =	vst v52  }
0x60: {  	v60 =	vadd.f32 v47, v45;
	[tilespmem:$0x980] =	vst v54  }
0x61: {  	v61 =	vadd.f32 v51, v49;
	[tilespmem:$0x990] =	vst v56  }
0x62: {  	[tilespmem:$0x9C0] =	vst v60;
	v62 =	vadd.f32 v55, v53  }
0x63: {  	[tilespmem:$0x9D0] =	vst v61;
	v63 =	vadd.f32 v59, v57  }
0x64: {  	p0 =	sne.s32 s8, $0x1;
	[tilespmem:$0x9E0] =	vst v62  }
.Ltmp0:
0x65: {  	[tilespmem:$0x9F0] =	vst v63;
	(pc) =	sbr.rel @p0 .LBB2_1-.Ltmp0, $4  }
0x66: {  	[hbm4b:s7+s1] =	stream.linear.scatter [tilespmem:s15], [sflag:$0x3], $0x200, $0x38;
	[tilespmem:$0xA00] =	vst v63  }
0x67: {  	_ =	swait.ge [sflag:s9], $0x200  }
0x68: {  	[sflag:s9] =	ssyncset.done $0x0  }
0x69: {  	s8 =	sadd.s32 $0xFFFFFFFF, s8;
	[sflag:s9] =	ssyncadd.s32 $0xFFFFFE00  }
0x6a: {  	_ =	sfence.sel $0x180000  }
0x6b: {  	[bflag:$0x0] =	sbarrier.arrive $0xFFFF  }
0x6c: {  	p0 =	sne.s32 s2, $0x0;
	_ =	strace $0x90000047  }
0x6d: {  	s0 =	sadd.s32 @!p0 $0x100000, s0;
	[bflag:$0x2] =	sbarrier.arrive $0xFFFF  }
0x6e: {  	[sflag:s0] =	ssyncadd.tile.s32 @!p0 $0x1;
	_ =	shalt  }
.Lfunc_end2:
_tile_overlayer_lowered:
.L_overlay_start_2:
0x6f: {  	(tag) =	ssettag $0x2  }
0x70: {  	s0 =	rddreg [dreg:$0x0];
	s2 =	stileid.u32  }
0x71: {  	s1 =	rddreg [dreg:$0x1];
	p0 =	sne.s32 s2, $0x0  }
0x72: {  	s3 =	rddreg [dreg:$0x2];
	[bflag:$0x3] =	sbarrier.arrive $0xFFFF;
	s2 =	simm.s32 @!p0 $0x1C03  }
0x73: {  	[timem:s3], [sflag:s2] =	dma.local @!p0 [hbm:s0], s1  }
0x74: {  	s0 =	simm.s32 @!p0 $0x3  }
0x75: {  	_ =	swait.ge @!p0 [sflag:s0], s1  }
0x76: {  	s1 =	ssub.s32 @!p0 $0x0, s1;
	[sflag:s0] =	ssyncset.done @!p0 $0x0  }
0x77: {  	[sflag:s0] =	ssyncadd.s32 @!p0 s1  }
0x78: {  	[bflag:$0x3] =	sbarrier.arrive $0xFFFF  }
0x79: {  	_ =	shalt  }

</sc_bundles>
